<compile_context>
chip_gen: v7x
topology: tpu7x:2x2x1
jax: 0.10.2.dev20260603
libtpu: 0.0.44.dev20260713+nightly
codegen_flags: <defaults>
</compile_context>

<pallas_src>
import functools

import jax
import jax.numpy as jnp
from jax import lax
from jax.experimental import pallas as pl
from jax.experimental.pallas import tpu as pltpu
from jax.experimental.pallas import tpu_sc as plsc

_N = 10000
_E = 320000
_D = 128
_D2 = 16
_NP = 10240
_NC, _NS = 2, 16
_NW = _NC * _NS
_CH = 72
_NCH = 139
_EPT = _NCH * _CH
_EPAD = _NW * _EPT
_EPW = _E // _NW

_mesh = plsc.VectorSubcoreMesh(core_axis_name="c", subcore_axis_name="s")


def _deg_body(dst_hbm, deg_out, dst_v, hist_v, blk_v, acc_v, spm):
    cid = lax.axis_index("c")
    sid = lax.axis_index("s")
    wid = sid * _NC + cid
    zeros16 = jnp.zeros((16,), jnp.float32)
    ones16 = jnp.ones((16,), jnp.float32)

    def zero(i, _):
        hist_v[pl.ds(i * 16, 16)] = zeros16
        return 0
    lax.fori_loop(0, _NP // 16, zero, 0)

    pltpu.sync_copy(dst_hbm.at[pl.ds(wid * _EPW, _EPW)], dst_v)

    def count(i, _):
        idx = dst_v[pl.ds(i * 16, 16)]
        plsc.addupdate_scatter(hist_v, [idx], ones16)
        return 0
    lax.fori_loop(0, _EPW // 16, count, 0)

    pltpu.sync_copy(hist_v, spm.at[sid])

    plsc.subcore_barrier()

    pltpu.sync_copy(spm.at[:, pl.ds(sid * 640, 640)], blk_v)

    def reduce(j, _):
        s = blk_v[0, pl.ds(j * 16, 16)]
        for r in range(1, _NS):
            s = s + blk_v[r, pl.ds(j * 16, 16)]
        acc_v[pl.ds(j * 16, 16)] = s
        return 0
    lax.fori_loop(0, 640 // 16, reduce, 0)

    pltpu.sync_copy(acc_v, deg_out.at[cid, pl.ds(sid * 640, 640)])


_sc_params = pltpu.CompilerParams(needs_layout_passes=False,
                                  use_tc_tiling_on_sc=False)

_deg_call = functools.partial(
    pl.kernel,
    out_type=jax.ShapeDtypeStruct((_NC, _NP), jnp.float32),
    mesh=_mesh,
    compiler_params=_sc_params,
    scratch_types=[
        pltpu.VMEM((_EPW,), jnp.int32),
        pltpu.VMEM((_NP,), jnp.float32),
        pltpu.VMEM((_NS, 640), jnp.float32),
        pltpu.VMEM((640,), jnp.float32),
        pltpu.VMEM_SHARED((_NS, _NP), jnp.float32),
    ],
)(_deg_body)




def _make_agg(width, nbuf):
    def _agg_body(y_hbm, src_hbm, dst_hbm, zero_hbm, out_hbm,
                  src_v, dst_v, rows_v, spm, gsem, ssem):
        cid = lax.axis_index("c")
        sid = lax.axis_index("s")
        wid = sid * _NC + cid

        pltpu.sync_copy(zero_hbm.at[pl.ds(sid * 640, 640)],
                        spm.at[pl.ds(sid * 640, 640)])
        pltpu.sync_copy(src_hbm.at[wid], src_v)
        pltpu.sync_copy(dst_hbm.at[wid], dst_v)
        plsc.subcore_barrier()

        drow = y_hbm.at[pl.ds(0, _CH)]

        for b in range(nbuf - 1):
            pltpu.async_copy(y_hbm.at[src_v.at[b]], rows_v.at[b], gsem.at[b])

        def chunk(j, _):
            p = j % nbuf
            pltpu.make_async_copy(drow, rows_v.at[p], gsem.at[p]).wait()
            pltpu.async_copy(rows_v.at[p], spm.at[dst_v.at[j]],
                             ssem.at[p], add=True)

            @pl.when(j + nbuf - 1 < _NCH)
            def _():
                q = (j + nbuf - 1) % nbuf

                @pl.when(j >= 1)
                def _():
                    pltpu.make_async_copy(drow, rows_v.at[q],
                                          ssem.at[q]).wait()

                pltpu.async_copy(y_hbm.at[src_v.at[j + nbuf - 1]],
                                 rows_v.at[q], gsem.at[q])
            return 0

        lax.fori_loop(0, _NCH, chunk, 0)
        for b in range(nbuf):
            pltpu.make_async_copy(drow, rows_v.at[b], ssem.at[b]).wait()

        plsc.subcore_barrier()
        pltpu.sync_copy(spm.at[pl.ds(sid * 640, 640)],
                        out_hbm.at[cid, pl.ds(sid * 640, 640)])

    return functools.partial(
        pl.kernel,
        out_type=jax.ShapeDtypeStruct((_NC, _NP, width), jnp.float32),
        mesh=_mesh,
        compiler_params=_sc_params,
        scratch_types=[
            pltpu.VMEM((_NCH, _CH), jnp.int32),
            pltpu.VMEM((_NCH, _CH), jnp.int32),
            pltpu.VMEM((nbuf, _CH, width), jnp.float32),
            pltpu.VMEM_SHARED((_NP, width), jnp.float32),
            pltpu.SemaphoreType.DMA((nbuf,)),
            pltpu.SemaphoreType.DMA((nbuf,)),
        ],
    )(_agg_body)


_agg_call_d = _make_agg(_D, 3)

_NB2 = 8


def _agg2_body(y_hbm, src_hbm, dst_hbm, zero_hbm, out_hbm,
               src_v, dst_v, rows_v, spm_y, spm, gsem, ssem):
    cid = lax.axis_index("c")
    sid = lax.axis_index("s")
    wid = sid * _NC + cid

    pltpu.sync_copy(zero_hbm.at[pl.ds(sid * 640, 640)],
                    spm.at[pl.ds(sid * 640, 640)])
    pltpu.sync_copy(y_hbm.at[pl.ds(sid * 625, 625)],
                    spm_y.at[pl.ds(sid * 625, 625)])
    pltpu.sync_copy(src_hbm.at[wid], src_v)
    pltpu.sync_copy(dst_hbm.at[wid], dst_v)
    plsc.subcore_barrier()

    drow = spm_y.at[pl.ds(0, _CH)]

    for b in range(_NB2 - 1):
        pltpu.async_copy(spm_y.at[src_v.at[b]], rows_v.at[b], gsem.at[b])

    def chunk(j, _):
        p = j % _NB2
        pltpu.make_async_copy(drow, rows_v.at[p], gsem.at[p]).wait()
        pltpu.async_copy(rows_v.at[p], spm.at[dst_v.at[j]],
                         ssem.at[p], add=True)

        @pl.when(j + _NB2 - 1 < _NCH)
        def _():
            q = (j + _NB2 - 1) % _NB2

            @pl.when(j >= 1)
            def _():
                pltpu.make_async_copy(drow, rows_v.at[q], ssem.at[q]).wait()

            pltpu.async_copy(spm_y.at[src_v.at[j + _NB2 - 1]],
                             rows_v.at[q], gsem.at[q])
        return 0

    lax.fori_loop(0, _NCH, chunk, 0)
    for b in range(_NB2):
        pltpu.make_async_copy(drow, rows_v.at[b], ssem.at[b]).wait()

    plsc.subcore_barrier()
    pltpu.sync_copy(spm.at[pl.ds(sid * 640, 640)],
                    out_hbm.at[cid, pl.ds(sid * 640, 640)])


_agg_call_2 = functools.partial(
    pl.kernel,
    out_type=jax.ShapeDtypeStruct((_NC, _NP, _D2), jnp.float32),
    mesh=_mesh,
    compiler_params=_sc_params,
    scratch_types=[
        pltpu.VMEM((_NCH, _CH), jnp.int32),
        pltpu.VMEM((_NCH, _CH), jnp.int32),
        pltpu.VMEM((_NB2, _CH, _D2), jnp.float32),
        pltpu.VMEM_SHARED((_N, _D2), jnp.float32),
        pltpu.VMEM_SHARED((_NP, _D2), jnp.float32),
        pltpu.SemaphoreType.DMA((_NB2,)),
        pltpu.SemaphoreType.DMA((_NB2,)),
    ],
)(_agg2_body)


_BR = 1000


def _y1_body(deg_ref, x_ref, w_ref, o_ref, d_ref):
    dsum = deg_ref[0] + deg_ref[1]
    dinv = lax.rsqrt(dsum + 1.0)
    o_ref[...] = dinv * jnp.dot(x_ref[...], w_ref[...],
                                preferred_element_type=jnp.float32)
    d_ref[...] = dsum


def _y1_call(degp, x, w1):
    return pl.pallas_call(
        _y1_body,
        grid=(_N // _BR,),
        in_specs=[
            pl.BlockSpec((_NC, _BR, 1), lambda i: (0, i, 0)),
            pl.BlockSpec((_BR, _D), lambda i: (i, 0)),
            pl.BlockSpec((_D, _D), lambda i: (0, 0)),
        ],
        out_specs=[
            pl.BlockSpec((_BR, _D), lambda i: (i, 0)),
            pl.BlockSpec((_BR, 1), lambda i: (i, 0)),
        ],
        out_shape=[
            jax.ShapeDtypeStruct((_N, _D), jnp.float32),
            jax.ShapeDtypeStruct((_N, 1), jnp.float32),
        ],
    )(degp, x, w1)


def _mid_body(deg_ref, agg_ref, y1_ref, b1_ref, w2_ref, o_ref):
    dinv = lax.rsqrt(deg_ref[...] + 1.0)
    h = dinv * (agg_ref[0] + agg_ref[1] + y1_ref[...]) + b1_ref[...]
    h = jnp.maximum(h, 0.0)
    y2 = dinv * jnp.dot(h, w2_ref[...], preferred_element_type=jnp.float32)
    o_ref[...] = y2[:, :_D2]


def _mid_call(degc, agg1, y1, b1r, w2p):
    return pl.pallas_call(
        _mid_body,
        grid=(_N // _BR,),
        in_specs=[
            pl.BlockSpec((_BR, 1), lambda i: (i, 0)),
            pl.BlockSpec((_NC, _BR, _D), lambda i: (0, i, 0)),
            pl.BlockSpec((_BR, _D), lambda i: (i, 0)),
            pl.BlockSpec((1, _D), lambda i: (0, 0)),
            pl.BlockSpec((_D, _D), lambda i: (0, 0)),
        ],
        out_specs=pl.BlockSpec((_BR, _D2), lambda i: (i, 0)),
        out_shape=jax.ShapeDtypeStruct((_N, _D2), jnp.float32),
    )(degc, agg1, y1, b1r, w2p)


def _fin_body(deg_ref, agg_ref, y2_ref, b2_ref, o_ref):
    dinv = lax.rsqrt(deg_ref[...] + 1.0)
    o_ref[...] = dinv * (agg_ref[0] + agg_ref[1] + y2_ref[...]) + b2_ref[...]


def _fin_call(degc, agg2, y2, b2r):
    return pl.pallas_call(
        _fin_body,
        grid=(_N // _BR,),
        in_specs=[
            pl.BlockSpec((_BR, 1), lambda i: (i, 0)),
            pl.BlockSpec((_NC, _BR, _D2), lambda i: (0, i, 0)),
            pl.BlockSpec((_BR, _D2), lambda i: (i, 0)),
            pl.BlockSpec((1, _D2), lambda i: (0, 0)),
        ],
        out_specs=pl.BlockSpec((_BR, _D2), lambda i: (i, 0)),
        out_shape=jax.ShapeDtypeStruct((_N, _D2), jnp.float32),
    )(degc, agg2, y2, b2r)


def kernel(x, edge_index, W1, b1, W2, b2):
    x = x.astype(jnp.float32)
    npad = _EPAD - _E
    src3 = jnp.concatenate(
        [edge_index[0], jnp.zeros((npad,), jnp.int32)]).reshape(_NW, _NCH, _CH)
    dst3 = jnp.concatenate(
        [edge_index[1], jnp.full((npad,), _N, jnp.int32)]).reshape(_NW, _NCH, _CH)

    deg = _deg_call(edge_index[1])
    degp = deg[:, :_N].reshape(_NC, _N, 1)

    y1, degc = _y1_call(degp, x, W1)
    zeros1 = jnp.zeros((_NP, _D), jnp.float32)
    agg1 = _agg_call_d(y1, src3, dst3, zeros1)

    w2p = jnp.pad(W2, ((0, 0), (0, _D - W2.shape[1])))
    y2 = _mid_call(degc, agg1, y1, b1.reshape(1, _D), w2p)

    zeros2 = jnp.zeros((_NP, _D2), jnp.float32)
    agg2 = _agg_call_2(y2, src3, dst3, zeros2)

    b2p = jnp.pad(b2, (0, _D2 - b2.shape[0])).reshape(1, _D2)
    out16 = _fin_call(degc, agg2, y2, b2p)
    return out16[:, :8]

# --- scband reference (transcript-rebuilt; emitter-appended) ---
"""Pipeline reference for scband-social-gnn-34316788695422 (READ-ONLY COPY).

The authoritative reference and input builder live on the scoring server;
editing this copy changes nothing except your own understanding.
"""

import jax, jax.numpy as jnp
import numpy as np

N = 10000
E = 320000
D_IN = 128
D_HID = 128
D_OUT = 8


def setup_inputs(seed: int = 0) -> dict:
    key = jax.random.key(seed)
    k1, k2, k3, k4 = jax.random.split(key, 4)
    x = jax.random.normal(k1, (N, D_IN), dtype=jnp.float32)
    edge_index = jax.random.randint(k2, (2, E), 0, N, dtype=jnp.int32)
    W1 = jax.random.normal(k3, (D_IN, D_HID), dtype=jnp.float32) * (1.0 / np.sqrt(D_IN))
    b1 = jnp.zeros((D_HID,), dtype=jnp.float32)
    W2 = jax.random.normal(k4, (D_HID, D_OUT), dtype=jnp.float32) * (1.0 / np.sqrt(D_HID))
    b2 = jnp.zeros((D_OUT,), dtype=jnp.float32)
    return {"x": x, "edge_index": edge_index, "W1": W1, "b1": b1, "W2": W2, "b2": b2}


def _gcn_layer(x, src, dst, W, b, num_nodes):
    # GCNConv: x' = D_hat^{-1/2} A_hat D_hat^{-1/2} (x W) + b, with self-loops
    xw = x @ W
    loop = jnp.arange(num_nodes, dtype=src.dtype)
    s = jnp.concatenate([src, loop])
    d = jnp.concatenate([dst, loop])
    deg = jax.ops.segment_sum(jnp.ones(s.shape[0], dtype=xw.dtype), d, num_segments=num_nodes)
    dinv = jnp.where(deg > 0, jax.lax.rsqrt(jnp.maximum(deg, 1e-12)), 0.0)
    norm = dinv[s] * dinv[d]
    msg = xw[s] * norm[:, None]
    out = jax.ops.segment_sum(msg, d, num_segments=num_nodes)
    return out + b


def reference(x, edge_index, W1, b1, W2, b2):
    x = x.astype(jnp.float32)
    src = edge_index[0]
    dst = edge_index[1]
    h = _gcn_layer(x, src, dst, W1, b1, N)
    h = jax.nn.relu(h)
    out = _gcn_layer(h, src, dst, W2, b2, N)
    return out

if __name__ == "__main__":
    import jax
    _d = setup_inputs()
    print(jax.jit(kernel)(*tuple(_d.values())))

</pallas_src>

<mosaic_0001>
#map = affine_map<(d0, d1) -> (0, 0)>
#map1 = affine_map<(d0, d1) -> (0, 0, 0)>
module attributes {stable_mosaic.version = 14 : i64} {
  func.func @_agg2_body(%arg0: i32, %arg1: i32, %arg2: memref<10000x16xf32, #tpu.memory_space<hbm>>, %arg3: memref<32x139x72xi32, #tpu.memory_space<hbm>>, %arg4: memref<32x139x72xi32, #tpu.memory_space<hbm>>, %arg5: memref<10240x16xf32, #tpu.memory_space<hbm>>, %arg6: memref<2x10240x16xf32, #tpu.memory_space<hbm>>, %arg7: memref<139x72xi32, #tpu.memory_space<vmem>>, %arg8: memref<139x72xi32, #tpu.memory_space<vmem>>, %arg9: memref<8x72x16xf32, #tpu.memory_space<vmem>>, %arg10: memref<10000x16xf32, #tpu.memory_space<vmem_shared>>, %arg11: memref<10240x16xf32, #tpu.memory_space<vmem_shared>>, %arg12: memref<8x!tpu.dma_semaphore, #tpu.memory_space<semaphore_mem>>, %arg13: memref<8x!tpu.dma_semaphore, #tpu.memory_space<semaphore_mem>>) attributes {dimension_semantics = [#tpu.dimension_semantics<core_parallel>, #tpu.dimension_semantics<subcore_parallel>], iteration_bounds = array<i64: 2, 16>, scalar_prefetch = 0 : i64, scratch_operands = 7 : i64, tpu.core_type = #tpu.core_type<sc_vector_subcore>, window_params = [{transform_indices = #map}, {transform_indices = #map1}, {transform_indices = #map1}, {transform_indices = #map}, {transform_indices = #map1}]} {
    %mul3A = arith.constant 2 : i32
    %mul3A_0 = arith.muli %arg1, %mul3A : i32
    %add3A = arith.addi %mul3A_0, %arg0 : i32
    %mul3A_1 = arith.constant 640 : i32
    %mul3A_2 = arith.muli %arg1, %mul3A_1 : i32
    %mul3A_3 = arith.constant 640 : i32
    %mul3A_4 = arith.muli %arg1, %mul3A_3 : i32
    "tpu.region"() ({
      %run_scoped3A = tpu.sem_alloc : memref<!tpu.dma_semaphore, #tpu.memory_space<semaphore_mem>>
      %dma_start3A_267 = arith.constant 0 : i32
      %dma_start3A_268 = tpu.memref_slice %arg11[%mul3A_4, %dma_start3A_267] : memref<10240x16xf32, #tpu.memory_space<vmem_shared>> -> memref<640x16xf32, #tpu.memory_space<vmem_shared>>
      %dma_start3A_269 = arith.constant 0 : i32
      %dma_start3A_270 = tpu.memref_slice %arg5[%mul3A_2, %dma_start3A_269] : memref<10240x16xf32, #tpu.memory_space<hbm>> -> memref<640x16xf32, #tpu.memory_space<hbm>>
      tpu.enqueue_dma source(%dma_start3A_270 : memref<640x16xf32, #tpu.memory_space<hbm>>) target(%dma_start3A_268 : memref<640x16xf32, #tpu.memory_space<vmem_shared>>) target_semaphore(%run_scoped3A : memref<!tpu.dma_semaphore, #tpu.memory_space<semaphore_mem>>)
      %dma_wait3A_271 = arith.constant 0 : i32
      %dma_wait3A_272 = tpu.memref_slice %arg11[%mul3A_4, %dma_wait3A_271] : memref<10240x16xf32, #tpu.memory_space<vmem_shared>> -> memref<640x16xf32, #tpu.memory_space<vmem_shared>>
      %dma_wait3A_273 = arith.constant 0 : i32
      %dma_wait3A_274 = tpu.memref_slice %arg5[%mul3A_2, %dma_wait3A_273] : memref<10240x16xf32, #tpu.memory_space<hbm>> -> memref<640x16xf32, #tpu.memory_space<hbm>>
      tpu.wait_dma2 semaphore(%run_scoped3A : memref<!tpu.dma_semaphore, #tpu.memory_space<semaphore_mem>>) src(%dma_wait3A_274 : memref<640x16xf32, #tpu.memory_space<hbm>>) dst(%dma_wait3A_272 : memref<640x16xf32, #tpu.memory_space<vmem_shared>>)
      tpu.yield
    }) : () -> ()
    %mul3A_5 = arith.constant 625 : i32
    %mul3A_6 = arith.muli %arg1, %mul3A_5 : i32
    %mul3A_7 = arith.constant 625 : i32
    %mul3A_8 = arith.muli %arg1, %mul3A_7 : i32
    "tpu.region"() ({
      %run_scoped3A = tpu.sem_alloc : memref<!tpu.dma_semaphore, #tpu.memory_space<semaphore_mem>>
      %dma_start3A_267 = arith.constant 0 : i32
      %dma_start3A_268 = tpu.memref_slice %arg10[%mul3A_8, %dma_start3A_267] : memref<10000x16xf32, #tpu.memory_space<vmem_shared>> -> memref<625x16xf32, #tpu.memory_space<vmem_shared>>
      %dma_start3A_269 = arith.constant 0 : i32
      %dma_start3A_270 = tpu.memref_slice %arg2[%mul3A_6, %dma_start3A_269] : memref<10000x16xf32, #tpu.memory_space<hbm>> -> memref<625x16xf32, #tpu.memory_space<hbm>>
      tpu.enqueue_dma source(%dma_start3A_270 : memref<625x16xf32, #tpu.memory_space<hbm>>) target(%dma_start3A_268 : memref<625x16xf32, #tpu.memory_space<vmem_shared>>) target_semaphore(%run_scoped3A : memref<!tpu.dma_semaphore, #tpu.memory_space<semaphore_mem>>)
      %dma_wait3A_271 = arith.constant 0 : i32
      %dma_wait3A_272 = tpu.memref_slice %arg10[%mul3A_8, %dma_wait3A_271] : memref<10000x16xf32, #tpu.memory_space<vmem_shared>> -> memref<625x16xf32, #tpu.memory_space<vmem_shared>>
      %dma_wait3A_273 = arith.constant 0 : i32
      %dma_wait3A_274 = tpu.memref_slice %arg2[%mul3A_6, %dma_wait3A_273] : memref<10000x16xf32, #tpu.memory_space<hbm>> -> memref<625x16xf32, #tpu.memory_space<hbm>>
      tpu.wait_dma2 semaphore(%run_scoped3A : memref<!tpu.dma_semaphore, #tpu.memory_space<semaphore_mem>>) src(%dma_wait3A_274 : memref<625x16xf32, #tpu.memory_space<hbm>>) dst(%dma_wait3A_272 : memref<625x16xf32, #tpu.memory_space<vmem_shared>>)
      tpu.yield
    }) : () -> ()
    "tpu.region"() ({
      %run_scoped3A = tpu.sem_alloc : memref<!tpu.dma_semaphore, #tpu.memory_space<semaphore_mem>>
      %dma_start3A_267 = arith.constant 0 : i32
      %dma_start3A_268 = arith.constant 0 : i32
      %dma_start3A_269 = tpu.memref_slice %arg3[%add3A, %dma_start3A_267, %dma_start3A_268] : memref<32x139x72xi32, #tpu.memory_space<hbm>> -> memref<1x139x72xi32, #tpu.memory_space<hbm>>
      %dma_start3A_270 = tpu.memref_squeeze %dma_start3A_269 : memref<1x139x72xi32, #tpu.memory_space<hbm>> -> memref<139x72xi32, #tpu.memory_space<hbm>>
      %dma_start3A_271 = arith.constant 0 : i32
      %dma_start3A_272 = arith.constant 0 : i32
      %dma_start3A_273 = tpu.memref_slice %arg3[%add3A, %dma_start3A_271, %dma_start3A_272] : memref<32x139x72xi32, #tpu.memory_space<hbm>> -> memref<1x139x72xi32, #tpu.memory_space<hbm>>
      %dma_start3A_274 = tpu.memref_squeeze %dma_start3A_273 : memref<1x139x72xi32, #tpu.memory_space<hbm>> -> memref<139x72xi32, #tpu.memory_space<hbm>>
      tpu.enqueue_dma source(%dma_start3A_274 : memref<139x72xi32, #tpu.memory_space<hbm>>) target(%arg7 : memref<139x72xi32, #tpu.memory_space<vmem>>) target_semaphore(%run_scoped3A : memref<!tpu.dma_semaphore, #tpu.memory_space<semaphore_mem>>)
      %dma_wait3A_275 = arith.constant 0 : i32
      %dma_wait3A_276 = arith.constant 0 : i32
      %dma_wait3A_277 = tpu.memref_slice %arg3[%add3A, %dma_wait3A_275, %dma_wait3A_276] : memref<32x139x72xi32, #tpu.memory_space<hbm>> -> memref<1x139x72xi32, #tpu.memory_space<hbm>>
      %dma_wait3A_278 = tpu.memref_squeeze %dma_wait3A_277 : memref<1x139x72xi32, #tpu.memory_space<hbm>> -> memref<139x72xi32, #tpu.memory_space<hbm>>
      %dma_wait3A_279 = arith.constant 0 : i32
      %dma_wait3A_280 = arith.constant 0 : i32
      %dma_wait3A_281 = tpu.memref_slice %arg3[%add3A, %dma_wait3A_279, %dma_wait3A_280] : memref<32x139x72xi32, #tpu.memory_space<hbm>> -> memref<1x139x72xi32, #tpu.memory_space<hbm>>
      %dma_wait3A_282 = tpu.memref_squeeze %dma_wait3A_281 : memref<1x139x72xi32, #tpu.memory_space<hbm>> -> memref<139x72xi32, #tpu.memory_space<hbm>>
      tpu.wait_dma2 semaphore(%run_scoped3A : memref<!tpu.dma_semaphore, #tpu.memory_space<semaphore_mem>>) src(%dma_wait3A_282 : memref<139x72xi32, #tpu.memory_space<hbm>>) dst(%arg7 : memref<139x72xi32, #tpu.memory_space<vmem>>)
      tpu.yield
    }) : () -> ()
    "tpu.region"() ({
      %run_scoped3A = tpu.sem_alloc : memref<!tpu.dma_semaphore, #tpu.memory_space<semaphore_mem>>
      %dma_start3A_267 = arith.constant 0 : i32
      %dma_start3A_268 = arith.constant 0 : i32
      %dma_start3A_269 = tpu.memref_slice %arg4[%add3A, %dma_start3A_267, %dma_start3A_268] : memref<32x139x72xi32, #tpu.memory_space<hbm>> -> memref<1x139x72xi32, #tpu.memory_space<hbm>>
      %dma_start3A_270 = tpu.memref_squeeze %dma_start3A_269 : memref<1x139x72xi32, #tpu.memory_space<hbm>> -> memref<139x72xi32, #tpu.memory_space<hbm>>
      %dma_start3A_271 = arith.constant 0 : i32
      %dma_start3A_272 = arith.constant 0 : i32
      %dma_start3A_273 = tpu.memref_slice %arg4[%add3A, %dma_start3A_271, %dma_start3A_272] : memref<32x139x72xi32, #tpu.memory_space<hbm>> -> memref<1x139x72xi32, #tpu.memory_space<hbm>>
      %dma_start3A_274 = tpu.memref_squeeze %dma_start3A_273 : memref<1x139x72xi32, #tpu.memory_space<hbm>> -> memref<139x72xi32, #tpu.memory_space<hbm>>
      tpu.enqueue_dma source(%dma_start3A_274 : memref<139x72xi32, #tpu.memory_space<hbm>>) target(%arg8 : memref<139x72xi32, #tpu.memory_space<vmem>>) target_semaphore(%run_scoped3A : memref<!tpu.dma_semaphore, #tpu.memory_space<semaphore_mem>>)
      %dma_wait3A_275 = arith.constant 0 : i32
      %dma_wait3A_276 = arith.constant 0 : i32
      %dma_wait3A_277 = tpu.memref_slice %arg4[%add3A, %dma_wait3A_275, %dma_wait3A_276] : memref<32x139x72xi32, #tpu.memory_space<hbm>> -> memref<1x139x72xi32, #tpu.memory_space<hbm>>
      %dma_wait3A_278 = tpu.memref_squeeze %dma_wait3A_277 : memref<1x139x72xi32, #tpu.memory_space<hbm>> -> memref<139x72xi32, #tpu.memory_space<hbm>>
      %dma_wait3A_279 = arith.constant 0 : i32
      %dma_wait3A_280 = arith.constant 0 : i32
      %dma_wait3A_281 = tpu.memref_slice %arg4[%add3A, %dma_wait3A_279, %dma_wait3A_280] : memref<32x139x72xi32, #tpu.memory_space<hbm>> -> memref<1x139x72xi32, #tpu.memory_space<hbm>>
      %dma_wait3A_282 = tpu.memref_squeeze %dma_wait3A_281 : memref<1x139x72xi32, #tpu.memory_space<hbm>> -> memref<139x72xi32, #tpu.memory_space<hbm>>
      tpu.wait_dma2 semaphore(%run_scoped3A : memref<!tpu.dma_semaphore, #tpu.memory_space<semaphore_mem>>) src(%dma_wait3A_282 : memref<139x72xi32, #tpu.memory_space<hbm>>) dst(%arg8 : memref<139x72xi32, #tpu.memory_space<vmem>>)
      tpu.yield
    }) : () -> ()
    %barrier3A = arith.constant 0 : index
    tpu.barrier barrier_id(%barrier3A)
    %dma_start3A = arith.constant 0 : i32
    %dma_start3A_9 = arith.constant 0 : i32
    %dma_start3A_10 = arith.constant 0 : i32
    %dma_start3A_11 = arith.constant 0 : i32
    %dma_start3A_12 = arith.constant 0 : i32
    %dma_start3A_13 = tpu.memref_slice %arg9[%dma_start3A_9, %dma_start3A_11, %dma_start3A_12] : memref<8x72x16xf32, #tpu.memory_space<vmem>> -> memref<1x72x16xf32, #tpu.memory_space<vmem>>
    %dma_start3A_14 = tpu.memref_squeeze %dma_start3A_13 : memref<1x72x16xf32, #tpu.memory_space<vmem>> -> memref<72x16xf32, #tpu.memory_space<vmem>>
    %dma_start3A_15 = arith.constant 0 : i32
    %dma_start3A_16 = tpu.memref_slice %arg7[%dma_start3A, %dma_start3A_15] : memref<139x72xi32, #tpu.memory_space<vmem>> -> memref<1x72xi32, #tpu.memory_space<vmem>>
    %dma_start3A_17 = tpu.memref_squeeze %dma_start3A_16 : memref<1x72xi32, #tpu.memory_space<vmem>> -> memref<72xi32, #tpu.memory_space<vmem>>
    %dma_start3A_18 = arith.constant 0 : i32
    %dma_start3A_19 = arith.constant 0 : i32
    %dma_start3A_20 = tpu.memref_slice %arg10[%dma_start3A_18, %dma_start3A_19] : memref<10000x16xf32, #tpu.memory_space<vmem_shared>> -> memref<10000x16xf32, #tpu.memory_space<vmem_shared>>
    %dma_start3A_21 = tpu.memref_slice %arg12[%dma_start3A_10] : memref<8x!tpu.dma_semaphore, #tpu.memory_space<semaphore_mem>> -> memref<1x!tpu.dma_semaphore, #tpu.memory_space<semaphore_mem>>
    %dma_start3A_22 = tpu.memref_squeeze %dma_start3A_21 : memref<1x!tpu.dma_semaphore, #tpu.memory_space<semaphore_mem>> -> memref<!tpu.dma_semaphore, #tpu.memory_space<semaphore_mem>>
    tpu.enqueue_indirect_dma source(%dma_start3A_20 : memref<10000x16xf32, #tpu.memory_space<vmem_shared>>) target(%dma_start3A_14 : memref<72x16xf32, #tpu.memory_space<vmem>>) offsets(%dma_start3A_17 : memref<72xi32, #tpu.memory_space<vmem>>) semaphore(%dma_start3A_22 : memref<!tpu.dma_semaphore, #tpu.memory_space<semaphore_mem>>)
    %dma_start3A_23 = arith.constant 1 : i32
    %dma_start3A_24 = arith.constant 1 : i32
    %dma_start3A_25 = arith.constant 1 : i32
    %dma_start3A_26 = arith.constant 0 : i32
    %dma_start3A_27 = arith.constant 0 : i32
    %dma_start3A_28 = tpu.memref_slice %arg9[%dma_start3A_24, %dma_start3A_26, %dma_start3A_27] : memref<8x72x16xf32, #tpu.memory_space<vmem>> -> memref<1x72x16xf32, #tpu.memory_space<vmem>>
    %dma_start3A_29 = tpu.memref_squeeze %dma_start3A_28 : memref<1x72x16xf32, #tpu.memory_space<vmem>> -> memref<72x16xf32, #tpu.memory_space<vmem>>
    %dma_start3A_30 = arith.constant 0 : i32
    %dma_start3A_31 = tpu.memref_slice %arg7[%dma_start3A_23, %dma_start3A_30] : memref<139x72xi32, #tpu.memory_space<vmem>> -> memref<1x72xi32, #tpu.memory_space<vmem>>
    %dma_start3A_32 = tpu.memref_squeeze %dma_start3A_31 : memref<1x72xi32, #tpu.memory_space<vmem>> -> memref<72xi32, #tpu.memory_space<vmem>>
    %dma_start3A_33 = arith.constant 0 : i32
    %dma_start3A_34 = arith.constant 0 : i32
    %dma_start3A_35 = tpu.memref_slice %arg10[%dma_start3A_33, %dma_start3A_34] : memref<10000x16xf32, #tpu.memory_space<vmem_shared>> -> memref<10000x16xf32, #tpu.memory_space<vmem_shared>>
    %dma_start3A_36 = tpu.memref_slice %arg12[%dma_start3A_25] : memref<8x!tpu.dma_semaphore, #tpu.memory_space<semaphore_mem>> -> memref<1x!tpu.dma_semaphore, #tpu.memory_space<semaphore_mem>>
    %dma_start3A_37 = tpu.memref_squeeze %dma_start3A_36 : memref<1x!tpu.dma_semaphore, #tpu.memory_space<semaphore_mem>> -> memref<!tpu.dma_semaphore, #tpu.memory_space<semaphore_mem>>
    tpu.enqueue_indirect_dma source(%dma_start3A_35 : memref<10000x16xf32, #tpu.memory_space<vmem_shared>>) target(%dma_start3A_29 : memref<72x16xf32, #tpu.memory_space<vmem>>) offsets(%dma_start3A_32 : memref<72xi32, #tpu.memory_space<vmem>>) semaphore(%dma_start3A_37 : memref<!tpu.dma_semaphore, #tpu.memory_space<semaphore_mem>>)
    %dma_start3A_38 = arith.constant 2 : i32
    %dma_start3A_39 = arith.constant 2 : i32
    %dma_start3A_40 = arith.constant 2 : i32
    %dma_start3A_41 = arith.constant 0 : i32
    %dma_start3A_42 = arith.constant 0 : i32
    %dma_start3A_43 = tpu.memref_slice %arg9[%dma_start3A_39, %dma_start3A_41, %dma_start3A_42] : memref<8x72x16xf32, #tpu.memory_space<vmem>> -> memref<1x72x16xf32, #tpu.memory_space<vmem>>
    %dma_start3A_44 = tpu.memref_squeeze %dma_start3A_43 : memref<1x72x16xf32, #tpu.memory_space<vmem>> -> memref<72x16xf32, #tpu.memory_space<vmem>>
    %dma_start3A_45 = arith.constant 0 : i32
    %dma_start3A_46 = tpu.memref_slice %arg7[%dma_start3A_38, %dma_start3A_45] : memref<139x72xi32, #tpu.memory_space<vmem>> -> memref<1x72xi32, #tpu.memory_space<vmem>>
    %dma_start3A_47 = tpu.memref_squeeze %dma_start3A_46 : memref<1x72xi32, #tpu.memory_space<vmem>> -> memref<72xi32, #tpu.memory_space<vmem>>
    %dma_start3A_48 = arith.constant 0 : i32
    %dma_start3A_49 = arith.constant 0 : i32
    %dma_start3A_50 = tpu.memref_slice %arg10[%dma_start3A_48, %dma_start3A_49] : memref<10000x16xf32, #tpu.memory_space<vmem_shared>> -> memref<10000x16xf32, #tpu.memory_space<vmem_shared>>
    %dma_start3A_51 = tpu.memref_slice %arg12[%dma_start3A_40] : memref<8x!tpu.dma_semaphore, #tpu.memory_space<semaphore_mem>> -> memref<1x!tpu.dma_semaphore, #tpu.memory_space<semaphore_mem>>
    %dma_start3A_52 = tpu.memref_squeeze %dma_start3A_51 : memref<1x!tpu.dma_semaphore, #tpu.memory_space<semaphore_mem>> -> memref<!tpu.dma_semaphore, #tpu.memory_space<semaphore_mem>>
    tpu.enqueue_indirect_dma source(%dma_start3A_50 : memref<10000x16xf32, #tpu.memory_space<vmem_shared>>) target(%dma_start3A_44 : memref<72x16xf32, #tpu.memory_space<vmem>>) offsets(%dma_start3A_47 : memref<72xi32, #tpu.memory_space<vmem>>) semaphore(%dma_start3A_52 : memref<!tpu.dma_semaphore, #tpu.memory_space<semaphore_mem>>)
    %dma_start3A_53 = arith.constant 3 : i32
    %dma_start3A_54 = arith.constant 3 : i32
    %dma_start3A_55 = arith.constant 3 : i32
    %dma_start3A_56 = arith.constant 0 : i32
    %dma_start3A_57 = arith.constant 0 : i32
    %dma_start3A_58 = tpu.memref_slice %arg9[%dma_start3A_54, %dma_start3A_56, %dma_start3A_57] : memref<8x72x16xf32, #tpu.memory_space<vmem>> -> memref<1x72x16xf32, #tpu.memory_space<vmem>>
    %dma_start3A_59 = tpu.memref_squeeze %dma_start3A_58 : memref<1x72x16xf32, #tpu.memory_space<vmem>> -> memref<72x16xf32, #tpu.memory_space<vmem>>
    %dma_start3A_60 = arith.constant 0 : i32
    %dma_start3A_61 = tpu.memref_slice %arg7[%dma_start3A_53, %dma_start3A_60] : memref<139x72xi32, #tpu.memory_space<vmem>> -> memref<1x72xi32, #tpu.memory_space<vmem>>
    %dma_start3A_62 = tpu.memref_squeeze %dma_start3A_61 : memref<1x72xi32, #tpu.memory_space<vmem>> -> memref<72xi32, #tpu.memory_space<vmem>>
    %dma_start3A_63 = arith.constant 0 : i32
    %dma_start3A_64 = arith.constant 0 : i32
    %dma_start3A_65 = tpu.memref_slice %arg10[%dma_start3A_63, %dma_start3A_64] : memref<10000x16xf32, #tpu.memory_space<vmem_shared>> -> memref<10000x16xf32, #tpu.memory_space<vmem_shared>>
    %dma_start3A_66 = tpu.memref_slice %arg12[%dma_start3A_55] : memref<8x!tpu.dma_semaphore, #tpu.memory_space<semaphore_mem>> -> memref<1x!tpu.dma_semaphore, #tpu.memory_space<semaphore_mem>>
    %dma_start3A_67 = tpu.memref_squeeze %dma_start3A_66 : memref<1x!tpu.dma_semaphore, #tpu.memory_space<semaphore_mem>> -> memref<!tpu.dma_semaphore, #tpu.memory_space<semaphore_mem>>
    tpu.enqueue_indirect_dma source(%dma_start3A_65 : memref<10000x16xf32, #tpu.memory_space<vmem_shared>>) target(%dma_start3A_59 : memref<72x16xf32, #tpu.memory_space<vmem>>) offsets(%dma_start3A_62 : memref<72xi32, #tpu.memory_space<vmem>>) semaphore(%dma_start3A_67 : memref<!tpu.dma_semaphore, #tpu.memory_space<semaphore_mem>>)
    %dma_start3A_68 = arith.constant 4 : i32
    %dma_start3A_69 = arith.constant 4 : i32
    %dma_start3A_70 = arith.constant 4 : i32
    %dma_start3A_71 = arith.constant 0 : i32
    %dma_start3A_72 = arith.constant 0 : i32
    %dma_start3A_73 = tpu.memref_slice %arg9[%dma_start3A_69, %dma_start3A_71, %dma_start3A_72] : memref<8x72x16xf32, #tpu.memory_space<vmem>> -> memref<1x72x16xf32, #tpu.memory_space<vmem>>
    %dma_start3A_74 = tpu.memref_squeeze %dma_start3A_73 : memref<1x72x16xf32, #tpu.memory_space<vmem>> -> memref<72x16xf32, #tpu.memory_space<vmem>>
    %dma_start3A_75 = arith.constant 0 : i32
    %dma_start3A_76 = tpu.memref_slice %arg7[%dma_start3A_68, %dma_start3A_75] : memref<139x72xi32, #tpu.memory_space<vmem>> -> memref<1x72xi32, #tpu.memory_space<vmem>>
    %dma_start3A_77 = tpu.memref_squeeze %dma_start3A_76 : memref<1x72xi32, #tpu.memory_space<vmem>> -> memref<72xi32, #tpu.memory_space<vmem>>
    %dma_start3A_78 = arith.constant 0 : i32
    %dma_start3A_79 = arith.constant 0 : i32
    %dma_start3A_80 = tpu.memref_slice %arg10[%dma_start3A_78, %dma_start3A_79] : memref<10000x16xf32, #tpu.memory_space<vmem_shared>> -> memref<10000x16xf32, #tpu.memory_space<vmem_shared>>
    %dma_start3A_81 = tpu.memref_slice %arg12[%dma_start3A_70] : memref<8x!tpu.dma_semaphore, #tpu.memory_space<semaphore_mem>> -> memref<1x!tpu.dma_semaphore, #tpu.memory_space<semaphore_mem>>
    %dma_start3A_82 = tpu.memref_squeeze %dma_start3A_81 : memref<1x!tpu.dma_semaphore, #tpu.memory_space<semaphore_mem>> -> memref<!tpu.dma_semaphore, #tpu.memory_space<semaphore_mem>>
    tpu.enqueue_indirect_dma source(%dma_start3A_80 : memref<10000x16xf32, #tpu.memory_space<vmem_shared>>) target(%dma_start3A_74 : memref<72x16xf32, #tpu.memory_space<vmem>>) offsets(%dma_start3A_77 : memref<72xi32, #tpu.memory_space<vmem>>) semaphore(%dma_start3A_82 : memref<!tpu.dma_semaphore, #tpu.memory_space<semaphore_mem>>)
    %dma_start3A_83 = arith.constant 5 : i32
    %dma_start3A_84 = arith.constant 5 : i32
    %dma_start3A_85 = arith.constant 5 : i32
    %dma_start3A_86 = arith.constant 0 : i32
    %dma_start3A_87 = arith.constant 0 : i32
    %dma_start3A_88 = tpu.memref_slice %arg9[%dma_start3A_84, %dma_start3A_86, %dma_start3A_87] : memref<8x72x16xf32, #tpu.memory_space<vmem>> -> memref<1x72x16xf32, #tpu.memory_space<vmem>>
    %dma_start3A_89 = tpu.memref_squeeze %dma_start3A_88 : memref<1x72x16xf32, #tpu.memory_space<vmem>> -> memref<72x16xf32, #tpu.memory_space<vmem>>
    %dma_start3A_90 = arith.constant 0 : i32
    %dma_start3A_91 = tpu.memref_slice %arg7[%dma_start3A_83, %dma_start3A_90] : memref<139x72xi32, #tpu.memory_space<vmem>> -> memref<1x72xi32, #tpu.memory_space<vmem>>
    %dma_start3A_92 = tpu.memref_squeeze %dma_start3A_91 : memref<1x72xi32, #tpu.memory_space<vmem>> -> memref<72xi32, #tpu.memory_space<vmem>>
    %dma_start3A_93 = arith.constant 0 : i32
    %dma_start3A_94 = arith.constant 0 : i32
    %dma_start3A_95 = tpu.memref_slice %arg10[%dma_start3A_93, %dma_start3A_94] : memref<10000x16xf32, #tpu.memory_space<vmem_shared>> -> memref<10000x16xf32, #tpu.memory_space<vmem_shared>>
    %dma_start3A_96 = tpu.memref_slice %arg12[%dma_start3A_85] : memref<8x!tpu.dma_semaphore, #tpu.memory_space<semaphore_mem>> -> memref<1x!tpu.dma_semaphore, #tpu.memory_space<semaphore_mem>>
    %dma_start3A_97 = tpu.memref_squeeze %dma_start3A_96 : memref<1x!tpu.dma_semaphore, #tpu.memory_space<semaphore_mem>> -> memref<!tpu.dma_semaphore, #tpu.memory_space<semaphore_mem>>
    tpu.enqueue_indirect_dma source(%dma_start3A_95 : memref<10000x16xf32, #tpu.memory_space<vmem_shared>>) target(%dma_start3A_89 : memref<72x16xf32, #tpu.memory_space<vmem>>) offsets(%dma_start3A_92 : memref<72xi32, #tpu.memory_space<vmem>>) semaphore(%dma_start3A_97 : memref<!tpu.dma_semaphore, #tpu.memory_space<semaphore_mem>>)
    %dma_start3A_98 = arith.constant 6 : i32
    %dma_start3A_99 = arith.constant 6 : i32
    %dma_start3A_100 = arith.constant 6 : i32
    %dma_start3A_101 = arith.constant 0 : i32
    %dma_start3A_102 = arith.constant 0 : i32
    %dma_start3A_103 = tpu.memref_slice %arg9[%dma_start3A_99, %dma_start3A_101, %dma_start3A_102] : memref<8x72x16xf32, #tpu.memory_space<vmem>> -> memref<1x72x16xf32, #tpu.memory_space<vmem>>
    %dma_start3A_104 = tpu.memref_squeeze %dma_start3A_103 : memref<1x72x16xf32, #tpu.memory_space<vmem>> -> memref<72x16xf32, #tpu.memory_space<vmem>>
    %dma_start3A_105 = arith.constant 0 : i32
    %dma_start3A_106 = tpu.memref_slice %arg7[%dma_start3A_98, %dma_start3A_105] : memref<139x72xi32, #tpu.memory_space<vmem>> -> memref<1x72xi32, #tpu.memory_space<vmem>>
    %dma_start3A_107 = tpu.memref_squeeze %dma_start3A_106 : memref<1x72xi32, #tpu.memory_space<vmem>> -> memref<72xi32, #tpu.memory_space<vmem>>
    %dma_start3A_108 = arith.constant 0 : i32
    %dma_start3A_109 = arith.constant 0 : i32
    %dma_start3A_110 = tpu.memref_slice %arg10[%dma_start3A_108, %dma_start3A_109] : memref<10000x16xf32, #tpu.memory_space<vmem_shared>> -> memref<10000x16xf32, #tpu.memory_space<vmem_shared>>
    %dma_start3A_111 = tpu.memref_slice %arg12[%dma_start3A_100] : memref<8x!tpu.dma_semaphore, #tpu.memory_space<semaphore_mem>> -> memref<1x!tpu.dma_semaphore, #tpu.memory_space<semaphore_mem>>
    %dma_start3A_112 = tpu.memref_squeeze %dma_start3A_111 : memref<1x!tpu.dma_semaphore, #tpu.memory_space<semaphore_mem>> -> memref<!tpu.dma_semaphore, #tpu.memory_space<semaphore_mem>>
    tpu.enqueue_indirect_dma source(%dma_start3A_110 : memref<10000x16xf32, #tpu.memory_space<vmem_shared>>) target(%dma_start3A_104 : memref<72x16xf32, #tpu.memory_space<vmem>>) offsets(%dma_start3A_107 : memref<72xi32, #tpu.memory_space<vmem>>) semaphore(%dma_start3A_112 : memref<!tpu.dma_semaphore, #tpu.memory_space<semaphore_mem>>)
    %scan3A = arith.constant 0 : i32
    %scan3A_113 = arith.constant 0 : i32
    %scan3A_114 = arith.constant 139 : i32
    %scan3A_115 = arith.addi %scan3A_113, %scan3A_114 : i32
    %scan3A_116 = arith.constant 1 : i32
    %scan3A_117 = scf.for %scan3A_267 = %scan3A_113 to %scan3A_115 step %scan3A_116 iter_args(%scan3A_268 = %scan3A) -> (i32)  : i32 {
      %jit3A = arith.constant 8 : i32
      %eq3A = arith.constant 0 : i32
      %eq3A_269 = arith.cmpi eq, %jit3A, %eq3A : i32
      %jit3A_270 = arith.constant 1 : i32
      %select_n3A = arith.select %eq3A_269, %jit3A_270, %jit3A : i32
      %rem3A = arith.remsi %scan3A_267, %select_n3A : i32
      %ne3A = arith.constant 0 : i32
      %ne3A_271 = arith.cmpi ne, %rem3A, %ne3A : i32
      %lt3A = arith.constant 0 : i32
      %lt3A_272 = arith.cmpi slt, %rem3A, %lt3A : i32
      %lt3A_273 = arith.constant 0 : i32
      %lt3A_274 = arith.cmpi slt, %select_n3A, %lt3A_273 : i32
      %ne3A_275 = arith.xori %lt3A_272, %lt3A_274 : i1
      %and3A = arith.andi %ne3A_275, %ne3A_271 : i1
      %add3A_276 = arith.addi %rem3A, %select_n3A : i32
      %select_n3A_277 = arith.select %and3A, %add3A_276, %rem3A : i32
      %dma_wait3A_278 = arith.constant 0 : i32
      %dma_wait3A_279 = arith.constant 0 : i32
      %dma_wait3A_280 = tpu.memref_slice %arg9[%select_n3A_277, %dma_wait3A_278, %dma_wait3A_279] : memref<8x72x16xf32, #tpu.memory_space<vmem>> -> memref<1x72x16xf32, #tpu.memory_space<vmem>>
      %dma_wait3A_281 = tpu.memref_squeeze %dma_wait3A_280 : memref<1x72x16xf32, #tpu.memory_space<vmem>> -> memref<72x16xf32, #tpu.memory_space<vmem>>
      %dma_wait3A_282 = arith.constant 0 : i32
      %dma_wait3A_283 = arith.constant 0 : i32
      %dma_wait3A_284 = tpu.memref_slice %arg10[%dma_wait3A_282, %dma_wait3A_283] : memref<10000x16xf32, #tpu.memory_space<vmem_shared>> -> memref<72x16xf32, #tpu.memory_space<vmem_shared>>
      %dma_wait3A_285 = tpu.memref_slice %arg12[%select_n3A_277] : memref<8x!tpu.dma_semaphore, #tpu.memory_space<semaphore_mem>> -> memref<1x!tpu.dma_semaphore, #tpu.memory_space<semaphore_mem>>
      %dma_wait3A_286 = tpu.memref_squeeze %dma_wait3A_285 : memref<1x!tpu.dma_semaphore, #tpu.memory_space<semaphore_mem>> -> memref<!tpu.dma_semaphore, #tpu.memory_space<semaphore_mem>>
      %dma_wait3A_287 = arith.constant 0 : i32
      %dma_wait3A_288 = arith.constant 0 : i32
      %dma_wait3A_289 = tpu.memref_slice %arg9[%select_n3A_277, %dma_wait3A_287, %dma_wait3A_288] : memref<8x72x16xf32, #tpu.memory_space<vmem>> -> memref<1x72x16xf32, #tpu.memory_space<vmem>>
      %dma_wait3A_290 = tpu.memref_squeeze %dma_wait3A_289 : memref<1x72x16xf32, #tpu.memory_space<vmem>> -> memref<72x16xf32, #tpu.memory_space<vmem>>
      %dma_wait3A_291 = arith.constant 0 : i32
      %dma_wait3A_292 = arith.constant 0 : i32
      %dma_wait3A_293 = tpu.memref_slice %arg10[%dma_wait3A_291, %dma_wait3A_292] : memref<10000x16xf32, #tpu.memory_space<vmem_shared>> -> memref<72x16xf32, #tpu.memory_space<vmem_shared>>
      tpu.wait_dma2 semaphore(%dma_wait3A_286 : memref<!tpu.dma_semaphore, #tpu.memory_space<semaphore_mem>>) src(%dma_wait3A_293 : memref<72x16xf32, #tpu.memory_space<vmem_shared>>) dst(%dma_wait3A_290 : memref<72x16xf32, #tpu.memory_space<vmem>>)
      %dma_start3A_294 = arith.constant 0 : i32
      %dma_start3A_295 = arith.constant 0 : i32
      %dma_start3A_296 = tpu.memref_slice %arg9[%select_n3A_277, %dma_start3A_294, %dma_start3A_295] : memref<8x72x16xf32, #tpu.memory_space<vmem>> -> memref<1x72x16xf32, #tpu.memory_space<vmem>>
      %dma_start3A_297 = tpu.memref_squeeze %dma_start3A_296 : memref<1x72x16xf32, #tpu.memory_space<vmem>> -> memref<72x16xf32, #tpu.memory_space<vmem>>
      %dma_start3A_298 = arith.constant 0 : i32
      %dma_start3A_299 = tpu.memref_slice %arg8[%scan3A_267, %dma_start3A_298] : memref<139x72xi32, #tpu.memory_space<vmem>> -> memref<1x72xi32, #tpu.memory_space<vmem>>
      %dma_start3A_300 = tpu.memref_squeeze %dma_start3A_299 : memref<1x72xi32, #tpu.memory_space<vmem>> -> memref<72xi32, #tpu.memory_space<vmem>>
      %dma_start3A_301 = arith.constant 0 : i32
      %dma_start3A_302 = arith.constant 0 : i32
      %dma_start3A_303 = tpu.memref_slice %arg11[%dma_start3A_301, %dma_start3A_302] : memref<10240x16xf32, #tpu.memory_space<vmem_shared>> -> memref<10240x16xf32, #tpu.memory_space<vmem_shared>>
      %dma_start3A_304 = tpu.memref_slice %arg13[%select_n3A_277] : memref<8x!tpu.dma_semaphore, #tpu.memory_space<semaphore_mem>> -> memref<1x!tpu.dma_semaphore, #tpu.memory_space<semaphore_mem>>
      %dma_start3A_305 = tpu.memref_squeeze %dma_start3A_304 : memref<1x!tpu.dma_semaphore, #tpu.memory_space<semaphore_mem>> -> memref<!tpu.dma_semaphore, #tpu.memory_space<semaphore_mem>>
      tpu.enqueue_indirect_dma source(%dma_start3A_297 : memref<72x16xf32, #tpu.memory_space<vmem>>) target(%dma_start3A_303 : memref<10240x16xf32, #tpu.memory_space<vmem_shared>>) offsets(%dma_start3A_300 : memref<72xi32, #tpu.memory_space<vmem>>) semaphore(%dma_start3A_305 : memref<!tpu.dma_semaphore, #tpu.memory_space<semaphore_mem>>) {add = true}
      %add3A_306 = arith.constant 8 : i32
      %add3A_307 = arith.addi %scan3A_267, %add3A_306 : i32
      %sub3A = arith.constant 1 : i32
      %sub3A_308 = arith.subi %add3A_307, %sub3A : i32
      %lt3A_309 = arith.constant 139 : i32
      %lt3A_310 = arith.cmpi slt, %sub3A_308, %lt3A_309 : i32
      %convert_element_type3A = arith.extui %lt3A_310 : i1 to i32
      %cond3A = arith.constant 0 : i32
      %cond3A_311 = arith.cmpi ne, %convert_element_type3A, %cond3A : i32
      scf.if %cond3A_311 {
        %add3A_313 = arith.constant 8 : i32
        %add3A_314 = arith.addi %scan3A_267, %add3A_313 : i32
        %sub3A_315 = arith.constant 1 : i32
        %sub3A_316 = arith.subi %add3A_314, %sub3A_315 : i32
        %jit3A_317 = arith.constant 8 : i32
        %eq3A_318 = arith.constant 0 : i32
        %eq3A_319 = arith.cmpi eq, %jit3A_317, %eq3A_318 : i32
        %jit3A_320 = arith.constant 1 : i32
        %select_n3A_321 = arith.select %eq3A_319, %jit3A_320, %jit3A_317 : i32
        %rem3A_322 = arith.remsi %sub3A_316, %select_n3A_321 : i32
        %ne3A_323 = arith.constant 0 : i32
        %ne3A_324 = arith.cmpi ne, %rem3A_322, %ne3A_323 : i32
        %lt3A_325 = arith.constant 0 : i32
        %lt3A_326 = arith.cmpi slt, %rem3A_322, %lt3A_325 : i32
        %lt3A_327 = arith.constant 0 : i32
        %lt3A_328 = arith.cmpi slt, %select_n3A_321, %lt3A_327 : i32
        %ne3A_329 = arith.xori %lt3A_326, %lt3A_328 : i1
        %and3A_330 = arith.andi %ne3A_329, %ne3A_324 : i1
        %add3A_331 = arith.addi %rem3A_322, %select_n3A_321 : i32
        %select_n3A_332 = arith.select %and3A_330, %add3A_331, %rem3A_322 : i32
        %ge3A = arith.constant 1 : i32
        %ge3A_333 = arith.cmpi sge, %scan3A_267, %ge3A : i32
        %convert_element_type3A_334 = arith.extui %ge3A_333 : i1 to i32
        %cond3A_335 = arith.constant 0 : i32
        %cond3A_336 = arith.cmpi ne, %convert_element_type3A_334, %cond3A_335 : i32
        scf.if %cond3A_336 {
          %dma_wait3A_353 = arith.constant 0 : i32
          %dma_wait3A_354 = arith.constant 0 : i32
          %dma_wait3A_355 = tpu.memref_slice %arg9[%select_n3A_332, %dma_wait3A_353, %dma_wait3A_354] : memref<8x72x16xf32, #tpu.memory_space<vmem>> -> memref<1x72x16xf32, #tpu.memory_space<vmem>>
          %dma_wait3A_356 = tpu.memref_squeeze %dma_wait3A_355 : memref<1x72x16xf32, #tpu.memory_space<vmem>> -> memref<72x16xf32, #tpu.memory_space<vmem>>
          %dma_wait3A_357 = arith.constant 0 : i32
          %dma_wait3A_358 = arith.constant 0 : i32
          %dma_wait3A_359 = tpu.memref_slice %arg10[%dma_wait3A_357, %dma_wait3A_358] : memref<10000x16xf32, #tpu.memory_space<vmem_shared>> -> memref<72x16xf32, #tpu.memory_space<vmem_shared>>
          %dma_wait3A_360 = tpu.memref_slice %arg13[%select_n3A_332] : memref<8x!tpu.dma_semaphore, #tpu.memory_space<semaphore_mem>> -> memref<1x!tpu.dma_semaphore, #tpu.memory_space<semaphore_mem>>
          %dma_wait3A_361 = tpu.memref_squeeze %dma_wait3A_360 : memref<1x!tpu.dma_semaphore, #tpu.memory_space<semaphore_mem>> -> memref<!tpu.dma_semaphore, #tpu.memory_space<semaphore_mem>>
          %dma_wait3A_362 = arith.constant 0 : i32
          %dma_wait3A_363 = arith.constant 0 : i32
          %dma_wait3A_364 = tpu.memref_slice %arg9[%select_n3A_332, %dma_wait3A_362, %dma_wait3A_363] : memref<8x72x16xf32, #tpu.memory_space<vmem>> -> memref<1x72x16xf32, #tpu.memory_space<vmem>>
          %dma_wait3A_365 = tpu.memref_squeeze %dma_wait3A_364 : memref<1x72x16xf32, #tpu.memory_space<vmem>> -> memref<72x16xf32, #tpu.memory_space<vmem>>
          %dma_wait3A_366 = arith.constant 0 : i32
          %dma_wait3A_367 = arith.constant 0 : i32
          %dma_wait3A_368 = tpu.memref_slice %arg10[%dma_wait3A_366, %dma_wait3A_367] : memref<10000x16xf32, #tpu.memory_space<vmem_shared>> -> memref<72x16xf32, #tpu.memory_space<vmem_shared>>
          tpu.wait_dma2 semaphore(%dma_wait3A_361 : memref<!tpu.dma_semaphore, #tpu.memory_space<semaphore_mem>>) src(%dma_wait3A_368 : memref<72x16xf32, #tpu.memory_space<vmem_shared>>) dst(%dma_wait3A_365 : memref<72x16xf32, #tpu.memory_space<vmem>>)
        } else {
        }
        %add3A_337 = arith.constant 8 : i32
        %add3A_338 = arith.addi %scan3A_267, %add3A_337 : i32
        %sub3A_339 = arith.constant 1 : i32
        %sub3A_340 = arith.subi %add3A_338, %sub3A_339 : i32
        %dma_start3A_341 = arith.constant 0 : i32
        %dma_start3A_342 = arith.constant 0 : i32
        %dma_start3A_343 = tpu.memref_slice %arg9[%select_n3A_332, %dma_start3A_341, %dma_start3A_342] : memref<8x72x16xf32, #tpu.memory_space<vmem>> -> memref<1x72x16xf32, #tpu.memory_space<vmem>>
        %dma_start3A_344 = tpu.memref_squeeze %dma_start3A_343 : memref<1x72x16xf32, #tpu.memory_space<vmem>> -> memref<72x16xf32, #tpu.memory_space<vmem>>
        %dma_start3A_345 = arith.constant 0 : i32
        %dma_start3A_346 = tpu.memref_slice %arg7[%sub3A_340, %dma_start3A_345] : memref<139x72xi32, #tpu.memory_space<vmem>> -> memref<1x72xi32, #tpu.memory_space<vmem>>
        %dma_start3A_347 = tpu.memref_squeeze %dma_start3A_346 : memref<1x72xi32, #tpu.memory_space<vmem>> -> memref<72xi32, #tpu.memory_space<vmem>>
        %dma_start3A_348 = arith.constant 0 : i32
        %dma_start3A_349 = arith.constant 0 : i32
        %dma_start3A_350 = tpu.memref_slice %arg10[%dma_start3A_348, %dma_start3A_349] : memref<10000x16xf32, #tpu.memory_space<vmem_shared>> -> memref<10000x16xf32, #tpu.memory_space<vmem_shared>>
        %dma_start3A_351 = tpu.memref_slice %arg12[%select_n3A_332] : memref<8x!tpu.dma_semaphore, #tpu.memory_space<semaphore_mem>> -> memref<1x!tpu.dma_semaphore, #tpu.memory_space<semaphore_mem>>
        %dma_start3A_352 = tpu.memref_squeeze %dma_start3A_351 : memref<1x!tpu.dma_semaphore, #tpu.memory_space<semaphore_mem>> -> memref<!tpu.dma_semaphore, #tpu.memory_space<semaphore_mem>>
        tpu.enqueue_indirect_dma source(%dma_start3A_350 : memref<10000x16xf32, #tpu.memory_space<vmem_shared>>) target(%dma_start3A_344 : memref<72x16xf32, #tpu.memory_space<vmem>>) offsets(%dma_start3A_347 : memref<72xi32, #tpu.memory_space<vmem>>) semaphore(%dma_start3A_352 : memref<!tpu.dma_semaphore, #tpu.memory_space<semaphore_mem>>)
      } else {
      }
      %scan3A_312 = arith.constant 0 : i32
      scf.yield %scan3A_312 : i32
    }
    %scan3A_118 = arith.constant 139 : i32
    %dma_wait3A = arith.constant 0 : i32
    %dma_wait3A_119 = arith.constant 0 : i32
    %dma_wait3A_120 = arith.constant 0 : i32
    %dma_wait3A_121 = arith.constant 0 : i32
    %dma_wait3A_122 = tpu.memref_slice %arg9[%dma_wait3A, %dma_wait3A_120, %dma_wait3A_121] : memref<8x72x16xf32, #tpu.memory_space<vmem>> -> memref<1x72x16xf32, #tpu.memory_space<vmem>>
    %dma_wait3A_123 = tpu.memref_squeeze %dma_wait3A_122 : memref<1x72x16xf32, #tpu.memory_space<vmem>> -> memref<72x16xf32, #tpu.memory_space<vmem>>
    %dma_wait3A_124 = arith.constant 0 : i32
    %dma_wait3A_125 = arith.constant 0 : i32
    %dma_wait3A_126 = tpu.memref_slice %arg10[%dma_wait3A_124, %dma_wait3A_125] : memref<10000x16xf32, #tpu.memory_space<vmem_shared>> -> memref<72x16xf32, #tpu.memory_space<vmem_shared>>
    %dma_wait3A_127 = tpu.memref_slice %arg13[%dma_wait3A_119] : memref<8x!tpu.dma_semaphore, #tpu.memory_space<semaphore_mem>> -> memref<1x!tpu.dma_semaphore, #tpu.memory_space<semaphore_mem>>
    %dma_wait3A_128 = tpu.memref_squeeze %dma_wait3A_127 : memref<1x!tpu.dma_semaphore, #tpu.memory_space<semaphore_mem>> -> memref<!tpu.dma_semaphore, #tpu.memory_space<semaphore_mem>>
    %dma_wait3A_129 = arith.constant 0 : i32
    %dma_wait3A_130 = arith.constant 0 : i32
    %dma_wait3A_131 = tpu.memref_slice %arg9[%dma_wait3A, %dma_wait3A_129, %dma_wait3A_130] : memref<8x72x16xf32, #tpu.memory_space<vmem>> -> memref<1x72x16xf32, #tpu.memory_space<vmem>>
    %dma_wait3A_132 = tpu.memref_squeeze %dma_wait3A_131 : memref<1x72x16xf32, #tpu.memory_space<vmem>> -> memref<72x16xf32, #tpu.memory_space<vmem>>
    %dma_wait3A_133 = arith.constant 0 : i32
    %dma_wait3A_134 = arith.constant 0 : i32
    %dma_wait3A_135 = tpu.memref_slice %arg10[%dma_wait3A_133, %dma_wait3A_134] : memref<10000x16xf32, #tpu.memory_space<vmem_shared>> -> memref<72x16xf32, #tpu.memory_space<vmem_shared>>
    tpu.wait_dma2 semaphore(%dma_wait3A_128 : memref<!tpu.dma_semaphore, #tpu.memory_space<semaphore_mem>>) src(%dma_wait3A_135 : memref<72x16xf32, #tpu.memory_space<vmem_shared>>) dst(%dma_wait3A_132 : memref<72x16xf32, #tpu.memory_space<vmem>>)
    %dma_wait3A_136 = arith.constant 1 : i32
    %dma_wait3A_137 = arith.constant 1 : i32
    %dma_wait3A_138 = arith.constant 0 : i32
    %dma_wait3A_139 = arith.constant 0 : i32
    %dma_wait3A_140 = tpu.memref_slice %arg9[%dma_wait3A_136, %dma_wait3A_138, %dma_wait3A_139] : memref<8x72x16xf32, #tpu.memory_space<vmem>> -> memref<1x72x16xf32, #tpu.memory_space<vmem>>
    %dma_wait3A_141 = tpu.memref_squeeze %dma_wait3A_140 : memref<1x72x16xf32, #tpu.memory_space<vmem>> -> memref<72x16xf32, #tpu.memory_space<vmem>>
    %dma_wait3A_142 = arith.constant 0 : i32
    %dma_wait3A_143 = arith.constant 0 : i32
    %dma_wait3A_144 = tpu.memref_slice %arg10[%dma_wait3A_142, %dma_wait3A_143] : memref<10000x16xf32, #tpu.memory_space<vmem_shared>> -> memref<72x16xf32, #tpu.memory_space<vmem_shared>>
    %dma_wait3A_145 = tpu.memref_slice %arg13[%dma_wait3A_137] : memref<8x!tpu.dma_semaphore, #tpu.memory_space<semaphore_mem>> -> memref<1x!tpu.dma_semaphore, #tpu.memory_space<semaphore_mem>>
    %dma_wait3A_146 = tpu.memref_squeeze %dma_wait3A_145 : memref<1x!tpu.dma_semaphore, #tpu.memory_space<semaphore_mem>> -> memref<!tpu.dma_semaphore, #tpu.memory_space<semaphore_mem>>
    %dma_wait3A_147 = arith.constant 0 : i32
    %dma_wait3A_148 = arith.constant 0 : i32
    %dma_wait3A_149 = tpu.memref_slice %arg9[%dma_wait3A_136, %dma_wait3A_147, %dma_wait3A_148] : memref<8x72x16xf32, #tpu.memory_space<vmem>> -> memref<1x72x16xf32, #tpu.memory_space<vmem>>
    %dma_wait3A_150 = tpu.memref_squeeze %dma_wait3A_149 : memref<1x72x16xf32, #tpu.memory_space<vmem>> -> memref<72x16xf32, #tpu.memory_space<vmem>>
    %dma_wait3A_151 = arith.constant 0 : i32
    %dma_wait3A_152 = arith.constant 0 : i32
    %dma_wait3A_153 = tpu.memref_slice %arg10[%dma_wait3A_151, %dma_wait3A_152] : memref<10000x16xf32, #tpu.memory_space<vmem_shared>> -> memref<72x16xf32, #tpu.memory_space<vmem_shared>>
    tpu.wait_dma2 semaphore(%dma_wait3A_146 : memref<!tpu.dma_semaphore, #tpu.memory_space<semaphore_mem>>) src(%dma_wait3A_153 : memref<72x16xf32, #tpu.memory_space<vmem_shared>>) dst(%dma_wait3A_150 : memref<72x16xf32, #tpu.memory_space<vmem>>)
    %dma_wait3A_154 = arith.constant 2 : i32
    %dma_wait3A_155 = arith.constant 2 : i32
    %dma_wait3A_156 = arith.constant 0 : i32
    %dma_wait3A_157 = arith.constant 0 : i32
    %dma_wait3A_158 = tpu.memref_slice %arg9[%dma_wait3A_154, %dma_wait3A_156, %dma_wait3A_157] : memref<8x72x16xf32, #tpu.memory_space<vmem>> -> memref<1x72x16xf32, #tpu.memory_space<vmem>>
    %dma_wait3A_159 = tpu.memref_squeeze %dma_wait3A_158 : memref<1x72x16xf32, #tpu.memory_space<vmem>> -> memref<72x16xf32, #tpu.memory_space<vmem>>
    %dma_wait3A_160 = arith.constant 0 : i32
    %dma_wait3A_161 = arith.constant 0 : i32
    %dma_wait3A_162 = tpu.memref_slice %arg10[%dma_wait3A_160, %dma_wait3A_161] : memref<10000x16xf32, #tpu.memory_space<vmem_shared>> -> memref<72x16xf32, #tpu.memory_space<vmem_shared>>
    %dma_wait3A_163 = tpu.memref_slice %arg13[%dma_wait3A_155] : memref<8x!tpu.dma_semaphore, #tpu.memory_space<semaphore_mem>> -> memref<1x!tpu.dma_semaphore, #tpu.memory_space<semaphore_mem>>
    %dma_wait3A_164 = tpu.memref_squeeze %dma_wait3A_163 : memref<1x!tpu.dma_semaphore, #tpu.memory_space<semaphore_mem>> -> memref<!tpu.dma_semaphore, #tpu.memory_space<semaphore_mem>>
    %dma_wait3A_165 = arith.constant 0 : i32
    %dma_wait3A_166 = arith.constant 0 : i32
    %dma_wait3A_167 = tpu.memref_slice %arg9[%dma_wait3A_154, %dma_wait3A_165, %dma_wait3A_166] : memref<8x72x16xf32, #tpu.memory_space<vmem>> -> memref<1x72x16xf32, #tpu.memory_space<vmem>>
    %dma_wait3A_168 = tpu.memref_squeeze %dma_wait3A_167 : memref<1x72x16xf32, #tpu.memory_space<vmem>> -> memref<72x16xf32, #tpu.memory_space<vmem>>
    %dma_wait3A_169 = arith.constant 0 : i32
    %dma_wait3A_170 = arith.constant 0 : i32
    %dma_wait3A_171 = tpu.memref_slice %arg10[%dma_wait3A_169, %dma_wait3A_170] : memref<10000x16xf32, #tpu.memory_space<vmem_shared>> -> memref<72x16xf32, #tpu.memory_space<vmem_shared>>
    tpu.wait_dma2 semaphore(%dma_wait3A_164 : memref<!tpu.dma_semaphore, #tpu.memory_space<semaphore_mem>>) src(%dma_wait3A_171 : memref<72x16xf32, #tpu.memory_space<vmem_shared>>) dst(%dma_wait3A_168 : memref<72x16xf32, #tpu.memory_space<vmem>>)
    %dma_wait3A_172 = arith.constant 3 : i32
    %dma_wait3A_173 = arith.constant 3 : i32
    %dma_wait3A_174 = arith.constant 0 : i32
    %dma_wait3A_175 = arith.constant 0 : i32
    %dma_wait3A_176 = tpu.memref_slice %arg9[%dma_wait3A_172, %dma_wait3A_174, %dma_wait3A_175] : memref<8x72x16xf32, #tpu.memory_space<vmem>> -> memref<1x72x16xf32, #tpu.memory_space<vmem>>
    %dma_wait3A_177 = tpu.memref_squeeze %dma_wait3A_176 : memref<1x72x16xf32, #tpu.memory_space<vmem>> -> memref<72x16xf32, #tpu.memory_space<vmem>>
    %dma_wait3A_178 = arith.constant 0 : i32
    %dma_wait3A_179 = arith.constant 0 : i32
    %dma_wait3A_180 = tpu.memref_slice %arg10[%dma_wait3A_178, %dma_wait3A_179] : memref<10000x16xf32, #tpu.memory_space<vmem_shared>> -> memref<72x16xf32, #tpu.memory_space<vmem_shared>>
    %dma_wait3A_181 = tpu.memref_slice %arg13[%dma_wait3A_173] : memref<8x!tpu.dma_semaphore, #tpu.memory_space<semaphore_mem>> -> memref<1x!tpu.dma_semaphore, #tpu.memory_space<semaphore_mem>>
    %dma_wait3A_182 = tpu.memref_squeeze %dma_wait3A_181 : memref<1x!tpu.dma_semaphore, #tpu.memory_space<semaphore_mem>> -> memref<!tpu.dma_semaphore, #tpu.memory_space<semaphore_mem>>
    %dma_wait3A_183 = arith.constant 0 : i32
    %dma_wait3A_184 = arith.constant 0 : i32
    %dma_wait3A_185 = tpu.memref_slice %arg9[%dma_wait3A_172, %dma_wait3A_183, %dma_wait3A_184] : memref<8x72x16xf32, #tpu.memory_space<vmem>> -> memref<1x72x16xf32, #tpu.memory_space<vmem>>
    %dma_wait3A_186 = tpu.memref_squeeze %dma_wait3A_185 : memref<1x72x16xf32, #tpu.memory_space<vmem>> -> memref<72x16xf32, #tpu.memory_space<vmem>>
    %dma_wait3A_187 = arith.constant 0 : i32
    %dma_wait3A_188 = arith.constant 0 : i32
    %dma_wait3A_189 = tpu.memref_slice %arg10[%dma_wait3A_187, %dma_wait3A_188] : memref<10000x16xf32, #tpu.memory_space<vmem_shared>> -> memref<72x16xf32, #tpu.memory_space<vmem_shared>>
    tpu.wait_dma2 semaphore(%dma_wait3A_182 : memref<!tpu.dma_semaphore, #tpu.memory_space<semaphore_mem>>) src(%dma_wait3A_189 : memref<72x16xf32, #tpu.memory_space<vmem_shared>>) dst(%dma_wait3A_186 : memref<72x16xf32, #tpu.memory_space<vmem>>)
    %dma_wait3A_190 = arith.constant 4 : i32
    %dma_wait3A_191 = arith.constant 4 : i32
    %dma_wait3A_192 = arith.constant 0 : i32
    %dma_wait3A_193 = arith.constant 0 : i32
    %dma_wait3A_194 = tpu.memref_slice %arg9[%dma_wait3A_190, %dma_wait3A_192, %dma_wait3A_193] : memref<8x72x16xf32, #tpu.memory_space<vmem>> -> memref<1x72x16xf32, #tpu.memory_space<vmem>>
    %dma_wait3A_195 = tpu.memref_squeeze %dma_wait3A_194 : memref<1x72x16xf32, #tpu.memory_space<vmem>> -> memref<72x16xf32, #tpu.memory_space<vmem>>
    %dma_wait3A_196 = arith.constant 0 : i32
    %dma_wait3A_197 = arith.constant 0 : i32
    %dma_wait3A_198 = tpu.memref_slice %arg10[%dma_wait3A_196, %dma_wait3A_197] : memref<10000x16xf32, #tpu.memory_space<vmem_shared>> -> memref<72x16xf32, #tpu.memory_space<vmem_shared>>
    %dma_wait3A_199 = tpu.memref_slice %arg13[%dma_wait3A_191] : memref<8x!tpu.dma_semaphore, #tpu.memory_space<semaphore_mem>> -> memref<1x!tpu.dma_semaphore, #tpu.memory_space<semaphore_mem>>
    %dma_wait3A_200 = tpu.memref_squeeze %dma_wait3A_199 : memref<1x!tpu.dma_semaphore, #tpu.memory_space<semaphore_mem>> -> memref<!tpu.dma_semaphore, #tpu.memory_space<semaphore_mem>>
    %dma_wait3A_201 = arith.constant 0 : i32
    %dma_wait3A_202 = arith.constant 0 : i32
    %dma_wait3A_203 = tpu.memref_slice %arg9[%dma_wait3A_190, %dma_wait3A_201, %dma_wait3A_202] : memref<8x72x16xf32, #tpu.memory_space<vmem>> -> memref<1x72x16xf32, #tpu.memory_space<vmem>>
    %dma_wait3A_204 = tpu.memref_squeeze %dma_wait3A_203 : memref<1x72x16xf32, #tpu.memory_space<vmem>> -> memref<72x16xf32, #tpu.memory_space<vmem>>
    %dma_wait3A_205 = arith.constant 0 : i32
    %dma_wait3A_206 = arith.constant 0 : i32
    %dma_wait3A_207 = tpu.memref_slice %arg10[%dma_wait3A_205, %dma_wait3A_206] : memref<10000x16xf32, #tpu.memory_space<vmem_shared>> -> memref<72x16xf32, #tpu.memory_space<vmem_shared>>
    tpu.wait_dma2 semaphore(%dma_wait3A_200 : memref<!tpu.dma_semaphore, #tpu.memory_space<semaphore_mem>>) src(%dma_wait3A_207 : memref<72x16xf32, #tpu.memory_space<vmem_shared>>) dst(%dma_wait3A_204 : memref<72x16xf32, #tpu.memory_space<vmem>>)
    %dma_wait3A_208 = arith.constant 5 : i32
    %dma_wait3A_209 = arith.constant 5 : i32
    %dma_wait3A_210 = arith.constant 0 : i32
    %dma_wait3A_211 = arith.constant 0 : i32
    %dma_wait3A_212 = tpu.memref_slice %arg9[%dma_wait3A_208, %dma_wait3A_210, %dma_wait3A_211] : memref<8x72x16xf32, #tpu.memory_space<vmem>> -> memref<1x72x16xf32, #tpu.memory_space<vmem>>
    %dma_wait3A_213 = tpu.memref_squeeze %dma_wait3A_212 : memref<1x72x16xf32, #tpu.memory_space<vmem>> -> memref<72x16xf32, #tpu.memory_space<vmem>>
    %dma_wait3A_214 = arith.constant 0 : i32
    %dma_wait3A_215 = arith.constant 0 : i32
    %dma_wait3A_216 = tpu.memref_slice %arg10[%dma_wait3A_214, %dma_wait3A_215] : memref<10000x16xf32, #tpu.memory_space<vmem_shared>> -> memref<72x16xf32, #tpu.memory_space<vmem_shared>>
    %dma_wait3A_217 = tpu.memref_slice %arg13[%dma_wait3A_209] : memref<8x!tpu.dma_semaphore, #tpu.memory_space<semaphore_mem>> -> memref<1x!tpu.dma_semaphore, #tpu.memory_space<semaphore_mem>>
    %dma_wait3A_218 = tpu.memref_squeeze %dma_wait3A_217 : memref<1x!tpu.dma_semaphore, #tpu.memory_space<semaphore_mem>> -> memref<!tpu.dma_semaphore, #tpu.memory_space<semaphore_mem>>
    %dma_wait3A_219 = arith.constant 0 : i32
    %dma_wait3A_220 = arith.constant 0 : i32
    %dma_wait3A_221 = tpu.memref_slice %arg9[%dma_wait3A_208, %dma_wait3A_219, %dma_wait3A_220] : memref<8x72x16xf32, #tpu.memory_space<vmem>> -> memref<1x72x16xf32, #tpu.memory_space<vmem>>
    %dma_wait3A_222 = tpu.memref_squeeze %dma_wait3A_221 : memref<1x72x16xf32, #tpu.memory_space<vmem>> -> memref<72x16xf32, #tpu.memory_space<vmem>>
    %dma_wait3A_223 = arith.constant 0 : i32
    %dma_wait3A_224 = arith.constant 0 : i32
    %dma_wait3A_225 = tpu.memref_slice %arg10[%dma_wait3A_223, %dma_wait3A_224] : memref<10000x16xf32, #tpu.memory_space<vmem_shared>> -> memref<72x16xf32, #tpu.memory_space<vmem_shared>>
    tpu.wait_dma2 semaphore(%dma_wait3A_218 : memref<!tpu.dma_semaphore, #tpu.memory_space<semaphore_mem>>) src(%dma_wait3A_225 : memref<72x16xf32, #tpu.memory_space<vmem_shared>>) dst(%dma_wait3A_222 : memref<72x16xf32, #tpu.memory_space<vmem>>)
    %dma_wait3A_226 = arith.constant 6 : i32
    %dma_wait3A_227 = arith.constant 6 : i32
    %dma_wait3A_228 = arith.constant 0 : i32
    %dma_wait3A_229 = arith.constant 0 : i32
    %dma_wait3A_230 = tpu.memref_slice %arg9[%dma_wait3A_226, %dma_wait3A_228, %dma_wait3A_229] : memref<8x72x16xf32, #tpu.memory_space<vmem>> -> memref<1x72x16xf32, #tpu.memory_space<vmem>>
    %dma_wait3A_231 = tpu.memref_squeeze %dma_wait3A_230 : memref<1x72x16xf32, #tpu.memory_space<vmem>> -> memref<72x16xf32, #tpu.memory_space<vmem>>
    %dma_wait3A_232 = arith.constant 0 : i32
    %dma_wait3A_233 = arith.constant 0 : i32
    %dma_wait3A_234 = tpu.memref_slice %arg10[%dma_wait3A_232, %dma_wait3A_233] : memref<10000x16xf32, #tpu.memory_space<vmem_shared>> -> memref<72x16xf32, #tpu.memory_space<vmem_shared>>
    %dma_wait3A_235 = tpu.memref_slice %arg13[%dma_wait3A_227] : memref<8x!tpu.dma_semaphore, #tpu.memory_space<semaphore_mem>> -> memref<1x!tpu.dma_semaphore, #tpu.memory_space<semaphore_mem>>
    %dma_wait3A_236 = tpu.memref_squeeze %dma_wait3A_235 : memref<1x!tpu.dma_semaphore, #tpu.memory_space<semaphore_mem>> -> memref<!tpu.dma_semaphore, #tpu.memory_space<semaphore_mem>>
    %dma_wait3A_237 = arith.constant 0 : i32
    %dma_wait3A_238 = arith.constant 0 : i32
    %dma_wait3A_239 = tpu.memref_slice %arg9[%dma_wait3A_226, %dma_wait3A_237, %dma_wait3A_238] : memref<8x72x16xf32, #tpu.memory_space<vmem>> -> memref<1x72x16xf32, #tpu.memory_space<vmem>>
    %dma_wait3A_240 = tpu.memref_squeeze %dma_wait3A_239 : memref<1x72x16xf32, #tpu.memory_space<vmem>> -> memref<72x16xf32, #tpu.memory_space<vmem>>
    %dma_wait3A_241 = arith.constant 0 : i32
    %dma_wait3A_242 = arith.constant 0 : i32
    %dma_wait3A_243 = tpu.memref_slice %arg10[%dma_wait3A_241, %dma_wait3A_242] : memref<10000x16xf32, #tpu.memory_space<vmem_shared>> -> memref<72x16xf32, #tpu.memory_space<vmem_shared>>
    tpu.wait_dma2 semaphore(%dma_wait3A_236 : memref<!tpu.dma_semaphore, #tpu.memory_space<semaphore_mem>>) src(%dma_wait3A_243 : memref<72x16xf32, #tpu.memory_space<vmem_shared>>) dst(%dma_wait3A_240 : memref<72x16xf32, #tpu.memory_space<vmem>>)
    %dma_wait3A_244 = arith.constant 7 : i32
    %dma_wait3A_245 = arith.constant 7 : i32
    %dma_wait3A_246 = arith.constant 0 : i32
    %dma_wait3A_247 = arith.constant 0 : i32
    %dma_wait3A_248 = tpu.memref_slice %arg9[%dma_wait3A_244, %dma_wait3A_246, %dma_wait3A_247] : memref<8x72x16xf32, #tpu.memory_space<vmem>> -> memref<1x72x16xf32, #tpu.memory_space<vmem>>
    %dma_wait3A_249 = tpu.memref_squeeze %dma_wait3A_248 : memref<1x72x16xf32, #tpu.memory_space<vmem>> -> memref<72x16xf32, #tpu.memory_space<vmem>>
    %dma_wait3A_250 = arith.constant 0 : i32
    %dma_wait3A_251 = arith.constant 0 : i32
    %dma_wait3A_252 = tpu.memref_slice %arg10[%dma_wait3A_250, %dma_wait3A_251] : memref<10000x16xf32, #tpu.memory_space<vmem_shared>> -> memref<72x16xf32, #tpu.memory_space<vmem_shared>>
    %dma_wait3A_253 = tpu.memref_slice %arg13[%dma_wait3A_245] : memref<8x!tpu.dma_semaphore, #tpu.memory_space<semaphore_mem>> -> memref<1x!tpu.dma_semaphore, #tpu.memory_space<semaphore_mem>>
    %dma_wait3A_254 = tpu.memref_squeeze %dma_wait3A_253 : memref<1x!tpu.dma_semaphore, #tpu.memory_space<semaphore_mem>> -> memref<!tpu.dma_semaphore, #tpu.memory_space<semaphore_mem>>
    %dma_wait3A_255 = arith.constant 0 : i32
    %dma_wait3A_256 = arith.constant 0 : i32
    %dma_wait3A_257 = tpu.memref_slice %arg9[%dma_wait3A_244, %dma_wait3A_255, %dma_wait3A_256] : memref<8x72x16xf32, #tpu.memory_space<vmem>> -> memref<1x72x16xf32, #tpu.memory_space<vmem>>
    %dma_wait3A_258 = tpu.memref_squeeze %dma_wait3A_257 : memref<1x72x16xf32, #tpu.memory_space<vmem>> -> memref<72x16xf32, #tpu.memory_space<vmem>>
    %dma_wait3A_259 = arith.constant 0 : i32
    %dma_wait3A_260 = arith.constant 0 : i32
    %dma_wait3A_261 = tpu.memref_slice %arg10[%dma_wait3A_259, %dma_wait3A_260] : memref<10000x16xf32, #tpu.memory_space<vmem_shared>> -> memref<72x16xf32, #tpu.memory_space<vmem_shared>>
    tpu.wait_dma2 semaphore(%dma_wait3A_254 : memref<!tpu.dma_semaphore, #tpu.memory_space<semaphore_mem>>) src(%dma_wait3A_261 : memref<72x16xf32, #tpu.memory_space<vmem_shared>>) dst(%dma_wait3A_258 : memref<72x16xf32, #tpu.memory_space<vmem>>)
    %barrier3A_262 = arith.constant 0 : index
    tpu.barrier barrier_id(%barrier3A_262)
    %mul3A_263 = arith.constant 640 : i32
    %mul3A_264 = arith.muli %arg1, %mul3A_263 : i32
    %mul3A_265 = arith.constant 640 : i32
    %mul3A_266 = arith.muli %arg1, %mul3A_265 : i32
    "tpu.region"() ({
      %run_scoped3A = tpu.sem_alloc : memref<!tpu.dma_semaphore, #tpu.memory_space<semaphore_mem>>
      %dma_start3A_267 = arith.constant 0 : i32
      %dma_start3A_268 = tpu.memref_slice %arg6[%arg0, %mul3A_266, %dma_start3A_267] : memref<2x10240x16xf32, #tpu.memory_space<hbm>> -> memref<1x640x16xf32, #tpu.memory_space<hbm>>
      %dma_start3A_269 = tpu.memref_squeeze %dma_start3A_268 : memref<1x640x16xf32, #tpu.memory_space<hbm>> -> memref<640x16xf32, #tpu.memory_space<hbm>>
      %dma_start3A_270 = arith.constant 0 : i32
      %dma_start3A_271 = tpu.memref_slice %arg11[%mul3A_264, %dma_start3A_270] : memref<10240x16xf32, #tpu.memory_space<vmem_shared>> -> memref<640x16xf32, #tpu.memory_space<vmem_shared>>
      tpu.enqueue_dma source(%dma_start3A_271 : memref<640x16xf32, #tpu.memory_space<vmem_shared>>) target(%dma_start3A_269 : memref<640x16xf32, #tpu.memory_space<hbm>>) target_semaphore(%run_scoped3A : memref<!tpu.dma_semaphore, #tpu.memory_space<semaphore_mem>>)
      %dma_wait3A_272 = arith.constant 0 : i32
      %dma_wait3A_273 = tpu.memref_slice %arg6[%arg0, %mul3A_266, %dma_wait3A_272] : memref<2x10240x16xf32, #tpu.memory_space<hbm>> -> memref<1x640x16xf32, #tpu.memory_space<hbm>>
      %dma_wait3A_274 = tpu.memref_squeeze %dma_wait3A_273 : memref<1x640x16xf32, #tpu.memory_space<hbm>> -> memref<640x16xf32, #tpu.memory_space<hbm>>
      %dma_wait3A_275 = arith.constant 0 : i32
      %dma_wait3A_276 = tpu.memref_slice %arg11[%mul3A_264, %dma_wait3A_275] : memref<10240x16xf32, #tpu.memory_space<vmem_shared>> -> memref<640x16xf32, #tpu.memory_space<vmem_shared>>
      tpu.wait_dma2 semaphore(%run_scoped3A : memref<!tpu.dma_semaphore, #tpu.memory_space<semaphore_mem>>) src(%dma_wait3A_276 : memref<640x16xf32, #tpu.memory_space<vmem_shared>>) dst(%dma_wait3A_274 : memref<640x16xf32, #tpu.memory_space<hbm>>)
      tpu.yield
    }) : () -> ()
    return
  }
}

#map = affine_map<(d0, d1) -> (0, 0)>
#map1 = affine_map<(d0, d1) -> (0, 0, 0)>
module attributes {stable_mosaic.version = 14 : i64} {
  func.func @_agg_body(%arg0: i32, %arg1: i32, %arg2: memref<10000x128xf32, #tpu.memory_space<hbm>>, %arg3: memref<32x139x72xi32, #tpu.memory_space<hbm>>, %arg4: memref<32x139x72xi32, #tpu.memory_space<hbm>>, %arg5: memref<10240x128xf32, #tpu.memory_space<hbm>>, %arg6: memref<2x10240x128xf32, #tpu.memory_space<hbm>>, %arg7: memref<139x72xi32, #tpu.memory_space<vmem>>, %arg8: memref<139x72xi32, #tpu.memory_space<vmem>>, %arg9: memref<3x72x128xf32, #tpu.memory_space<vmem>>, %arg10: memref<10240x128xf32, #tpu.memory_space<vmem_shared>>, %arg11: memref<3x!tpu.dma_semaphore, #tpu.memory_space<semaphore_mem>>, %arg12: memref<3x!tpu.dma_semaphore, #tpu.memory_space<semaphore_mem>>) attributes {dimension_semantics = [#tpu.dimension_semantics<core_parallel>, #tpu.dimension_semantics<subcore_parallel>], iteration_bounds = array<i64: 2, 16>, scalar_prefetch = 0 : i64, scratch_operands = 6 : i64, tpu.core_type = #tpu.core_type<sc_vector_subcore>, window_params = [{transform_indices = #map}, {transform_indices = #map1}, {transform_indices = #map1}, {transform_indices = #map}, {transform_indices = #map1}]} {
    %mul3A = arith.constant 2 : i32
    %mul3A_0 = arith.muli %arg1, %mul3A : i32
    %add3A = arith.addi %mul3A_0, %arg0 : i32
    %mul3A_1 = arith.constant 640 : i32
    %mul3A_2 = arith.muli %arg1, %mul3A_1 : i32
    %mul3A_3 = arith.constant 640 : i32
    %mul3A_4 = arith.muli %arg1, %mul3A_3 : i32
    "tpu.region"() ({
      %run_scoped3A = tpu.sem_alloc : memref<!tpu.dma_semaphore, #tpu.memory_space<semaphore_mem>>
      %dma_start3A_98 = arith.constant 0 : i32
      %dma_start3A_99 = tpu.memref_slice %arg10[%mul3A_4, %dma_start3A_98] : memref<10240x128xf32, #tpu.memory_space<vmem_shared>> -> memref<640x128xf32, #tpu.memory_space<vmem_shared>>
      %dma_start3A_100 = arith.constant 0 : i32
      %dma_start3A_101 = tpu.memref_slice %arg5[%mul3A_2, %dma_start3A_100] : memref<10240x128xf32, #tpu.memory_space<hbm>> -> memref<640x128xf32, #tpu.memory_space<hbm>>
      tpu.enqueue_dma source(%dma_start3A_101 : memref<640x128xf32, #tpu.memory_space<hbm>>) target(%dma_start3A_99 : memref<640x128xf32, #tpu.memory_space<vmem_shared>>) target_semaphore(%run_scoped3A : memref<!tpu.dma_semaphore, #tpu.memory_space<semaphore_mem>>)
      %dma_wait3A_102 = arith.constant 0 : i32
      %dma_wait3A_103 = tpu.memref_slice %arg10[%mul3A_4, %dma_wait3A_102] : memref<10240x128xf32, #tpu.memory_space<vmem_shared>> -> memref<640x128xf32, #tpu.memory_space<vmem_shared>>
      %dma_wait3A_104 = arith.constant 0 : i32
      %dma_wait3A_105 = tpu.memref_slice %arg5[%mul3A_2, %dma_wait3A_104] : memref<10240x128xf32, #tpu.memory_space<hbm>> -> memref<640x128xf32, #tpu.memory_space<hbm>>
      tpu.wait_dma2 semaphore(%run_scoped3A : memref<!tpu.dma_semaphore, #tpu.memory_space<semaphore_mem>>) src(%dma_wait3A_105 : memref<640x128xf32, #tpu.memory_space<hbm>>) dst(%dma_wait3A_103 : memref<640x128xf32, #tpu.memory_space<vmem_shared>>)
      tpu.yield
    }) : () -> ()
    "tpu.region"() ({
      %run_scoped3A = tpu.sem_alloc : memref<!tpu.dma_semaphore, #tpu.memory_space<semaphore_mem>>
      %dma_start3A_98 = arith.constant 0 : i32
      %dma_start3A_99 = arith.constant 0 : i32
      %dma_start3A_100 = tpu.memref_slice %arg3[%add3A, %dma_start3A_98, %dma_start3A_99] : memref<32x139x72xi32, #tpu.memory_space<hbm>> -> memref<1x139x72xi32, #tpu.memory_space<hbm>>
      %dma_start3A_101 = tpu.memref_squeeze %dma_start3A_100 : memref<1x139x72xi32, #tpu.memory_space<hbm>> -> memref<139x72xi32, #tpu.memory_space<hbm>>
      %dma_start3A_102 = arith.constant 0 : i32
      %dma_start3A_103 = arith.constant 0 : i32
      %dma_start3A_104 = tpu.memref_slice %arg3[%add3A, %dma_start3A_102, %dma_start3A_103] : memref<32x139x72xi32, #tpu.memory_space<hbm>> -> memref<1x139x72xi32, #tpu.memory_space<hbm>>
      %dma_start3A_105 = tpu.memref_squeeze %dma_start3A_104 : memref<1x139x72xi32, #tpu.memory_space<hbm>> -> memref<139x72xi32, #tpu.memory_space<hbm>>
      tpu.enqueue_dma source(%dma_start3A_105 : memref<139x72xi32, #tpu.memory_space<hbm>>) target(%arg7 : memref<139x72xi32, #tpu.memory_space<vmem>>) target_semaphore(%run_scoped3A : memref<!tpu.dma_semaphore, #tpu.memory_space<semaphore_mem>>)
      %dma_wait3A_106 = arith.constant 0 : i32
      %dma_wait3A_107 = arith.constant 0 : i32
      %dma_wait3A_108 = tpu.memref_slice %arg3[%add3A, %dma_wait3A_106, %dma_wait3A_107] : memref<32x139x72xi32, #tpu.memory_space<hbm>> -> memref<1x139x72xi32, #tpu.memory_space<hbm>>
      %dma_wait3A_109 = tpu.memref_squeeze %dma_wait3A_108 : memref<1x139x72xi32, #tpu.memory_space<hbm>> -> memref<139x72xi32, #tpu.memory_space<hbm>>
      %dma_wait3A_110 = arith.constant 0 : i32
      %dma_wait3A_111 = arith.constant 0 : i32
      %dma_wait3A_112 = tpu.memref_slice %arg3[%add3A, %dma_wait3A_110, %dma_wait3A_111] : memref<32x139x72xi32, #tpu.memory_space<hbm>> -> memref<1x139x72xi32, #tpu.memory_space<hbm>>
      %dma_wait3A_113 = tpu.memref_squeeze %dma_wait3A_112 : memref<1x139x72xi32, #tpu.memory_space<hbm>> -> memref<139x72xi32, #tpu.memory_space<hbm>>
      tpu.wait_dma2 semaphore(%run_scoped3A : memref<!tpu.dma_semaphore, #tpu.memory_space<semaphore_mem>>) src(%dma_wait3A_113 : memref<139x72xi32, #tpu.memory_space<hbm>>) dst(%arg7 : memref<139x72xi32, #tpu.memory_space<vmem>>)
      tpu.yield
    }) : () -> ()
    "tpu.region"() ({
      %run_scoped3A = tpu.sem_alloc : memref<!tpu.dma_semaphore, #tpu.memory_space<semaphore_mem>>
      %dma_start3A_98 = arith.constant 0 : i32
      %dma_start3A_99 = arith.constant 0 : i32
      %dma_start3A_100 = tpu.memref_slice %arg4[%add3A, %dma_start3A_98, %dma_start3A_99] : memref<32x139x72xi32, #tpu.memory_space<hbm>> -> memref<1x139x72xi32, #tpu.memory_space<hbm>>
      %dma_start3A_101 = tpu.memref_squeeze %dma_start3A_100 : memref<1x139x72xi32, #tpu.memory_space<hbm>> -> memref<139x72xi32, #tpu.memory_space<hbm>>
      %dma_start3A_102 = arith.constant 0 : i32
      %dma_start3A_103 = arith.constant 0 : i32
      %dma_start3A_104 = tpu.memref_slice %arg4[%add3A, %dma_start3A_102, %dma_start3A_103] : memref<32x139x72xi32, #tpu.memory_space<hbm>> -> memref<1x139x72xi32, #tpu.memory_space<hbm>>
      %dma_start3A_105 = tpu.memref_squeeze %dma_start3A_104 : memref<1x139x72xi32, #tpu.memory_space<hbm>> -> memref<139x72xi32, #tpu.memory_space<hbm>>
      tpu.enqueue_dma source(%dma_start3A_105 : memref<139x72xi32, #tpu.memory_space<hbm>>) target(%arg8 : memref<139x72xi32, #tpu.memory_space<vmem>>) target_semaphore(%run_scoped3A : memref<!tpu.dma_semaphore, #tpu.memory_space<semaphore_mem>>)
      %dma_wait3A_106 = arith.constant 0 : i32
      %dma_wait3A_107 = arith.constant 0 : i32
      %dma_wait3A_108 = tpu.memref_slice %arg4[%add3A, %dma_wait3A_106, %dma_wait3A_107] : memref<32x139x72xi32, #tpu.memory_space<hbm>> -> memref<1x139x72xi32, #tpu.memory_space<hbm>>
      %dma_wait3A_109 = tpu.memref_squeeze %dma_wait3A_108 : memref<1x139x72xi32, #tpu.memory_space<hbm>> -> memref<139x72xi32, #tpu.memory_space<hbm>>
      %dma_wait3A_110 = arith.constant 0 : i32
      %dma_wait3A_111 = arith.constant 0 : i32
      %dma_wait3A_112 = tpu.memref_slice %arg4[%add3A, %dma_wait3A_110, %dma_wait3A_111] : memref<32x139x72xi32, #tpu.memory_space<hbm>> -> memref<1x139x72xi32, #tpu.memory_space<hbm>>
      %dma_wait3A_113 = tpu.memref_squeeze %dma_wait3A_112 : memref<1x139x72xi32, #tpu.memory_space<hbm>> -> memref<139x72xi32, #tpu.memory_space<hbm>>
      tpu.wait_dma2 semaphore(%run_scoped3A : memref<!tpu.dma_semaphore, #tpu.memory_space<semaphore_mem>>) src(%dma_wait3A_113 : memref<139x72xi32, #tpu.memory_space<hbm>>) dst(%arg8 : memref<139x72xi32, #tpu.memory_space<vmem>>)
      tpu.yield
    }) : () -> ()
    %barrier3A = arith.constant 0 : index
    tpu.barrier barrier_id(%barrier3A)
    %dma_start3A = arith.constant 0 : i32
    %dma_start3A_5 = arith.constant 0 : i32
    %dma_start3A_6 = arith.constant 0 : i32
    %dma_start3A_7 = arith.constant 0 : i32
    %dma_start3A_8 = arith.constant 0 : i32
    %dma_start3A_9 = tpu.memref_slice %arg9[%dma_start3A_5, %dma_start3A_7, %dma_start3A_8] : memref<3x72x128xf32, #tpu.memory_space<vmem>> -> memref<1x72x128xf32, #tpu.memory_space<vmem>>
    %dma_start3A_10 = tpu.memref_squeeze %dma_start3A_9 : memref<1x72x128xf32, #tpu.memory_space<vmem>> -> memref<72x128xf32, #tpu.memory_space<vmem>>
    %dma_start3A_11 = arith.constant 0 : i32
    %dma_start3A_12 = tpu.memref_slice %arg7[%dma_start3A, %dma_start3A_11] : memref<139x72xi32, #tpu.memory_space<vmem>> -> memref<1x72xi32, #tpu.memory_space<vmem>>
    %dma_start3A_13 = tpu.memref_squeeze %dma_start3A_12 : memref<1x72xi32, #tpu.memory_space<vmem>> -> memref<72xi32, #tpu.memory_space<vmem>>
    %dma_start3A_14 = arith.constant 0 : i32
    %dma_start3A_15 = arith.constant 0 : i32
    %dma_start3A_16 = tpu.memref_slice %arg2[%dma_start3A_14, %dma_start3A_15] : memref<10000x128xf32, #tpu.memory_space<hbm>> -> memref<10000x128xf32, #tpu.memory_space<hbm>>
    %dma_start3A_17 = tpu.memref_slice %arg11[%dma_start3A_6] : memref<3x!tpu.dma_semaphore, #tpu.memory_space<semaphore_mem>> -> memref<1x!tpu.dma_semaphore, #tpu.memory_space<semaphore_mem>>
    %dma_start3A_18 = tpu.memref_squeeze %dma_start3A_17 : memref<1x!tpu.dma_semaphore, #tpu.memory_space<semaphore_mem>> -> memref<!tpu.dma_semaphore, #tpu.memory_space<semaphore_mem>>
    tpu.enqueue_indirect_dma source(%dma_start3A_16 : memref<10000x128xf32, #tpu.memory_space<hbm>>) target(%dma_start3A_10 : memref<72x128xf32, #tpu.memory_space<vmem>>) offsets(%dma_start3A_13 : memref<72xi32, #tpu.memory_space<vmem>>) semaphore(%dma_start3A_18 : memref<!tpu.dma_semaphore, #tpu.memory_space<semaphore_mem>>)
    %dma_start3A_19 = arith.constant 1 : i32
    %dma_start3A_20 = arith.constant 1 : i32
    %dma_start3A_21 = arith.constant 1 : i32
    %dma_start3A_22 = arith.constant 0 : i32
    %dma_start3A_23 = arith.constant 0 : i32
    %dma_start3A_24 = tpu.memref_slice %arg9[%dma_start3A_20, %dma_start3A_22, %dma_start3A_23] : memref<3x72x128xf32, #tpu.memory_space<vmem>> -> memref<1x72x128xf32, #tpu.memory_space<vmem>>
    %dma_start3A_25 = tpu.memref_squeeze %dma_start3A_24 : memref<1x72x128xf32, #tpu.memory_space<vmem>> -> memref<72x128xf32, #tpu.memory_space<vmem>>
    %dma_start3A_26 = arith.constant 0 : i32
    %dma_start3A_27 = tpu.memref_slice %arg7[%dma_start3A_19, %dma_start3A_26] : memref<139x72xi32, #tpu.memory_space<vmem>> -> memref<1x72xi32, #tpu.memory_space<vmem>>
    %dma_start3A_28 = tpu.memref_squeeze %dma_start3A_27 : memref<1x72xi32, #tpu.memory_space<vmem>> -> memref<72xi32, #tpu.memory_space<vmem>>
    %dma_start3A_29 = arith.constant 0 : i32
    %dma_start3A_30 = arith.constant 0 : i32
    %dma_start3A_31 = tpu.memref_slice %arg2[%dma_start3A_29, %dma_start3A_30] : memref<10000x128xf32, #tpu.memory_space<hbm>> -> memref<10000x128xf32, #tpu.memory_space<hbm>>
    %dma_start3A_32 = tpu.memref_slice %arg11[%dma_start3A_21] : memref<3x!tpu.dma_semaphore, #tpu.memory_space<semaphore_mem>> -> memref<1x!tpu.dma_semaphore, #tpu.memory_space<semaphore_mem>>
    %dma_start3A_33 = tpu.memref_squeeze %dma_start3A_32 : memref<1x!tpu.dma_semaphore, #tpu.memory_space<semaphore_mem>> -> memref<!tpu.dma_semaphore, #tpu.memory_space<semaphore_mem>>
    tpu.enqueue_indirect_dma source(%dma_start3A_31 : memref<10000x128xf32, #tpu.memory_space<hbm>>) target(%dma_start3A_25 : memref<72x128xf32, #tpu.memory_space<vmem>>) offsets(%dma_start3A_28 : memref<72xi32, #tpu.memory_space<vmem>>) semaphore(%dma_start3A_33 : memref<!tpu.dma_semaphore, #tpu.memory_space<semaphore_mem>>)
    %scan3A = arith.constant 0 : i32
    %scan3A_34 = arith.constant 0 : i32
    %scan3A_35 = arith.constant 139 : i32
    %scan3A_36 = arith.addi %scan3A_34, %scan3A_35 : i32
    %scan3A_37 = arith.constant 1 : i32
    %scan3A_38 = scf.for %scan3A_98 = %scan3A_34 to %scan3A_36 step %scan3A_37 iter_args(%scan3A_99 = %scan3A) -> (i32)  : i32 {
      %jit3A = arith.constant 3 : i32
      %eq3A = arith.constant 0 : i32
      %eq3A_100 = arith.cmpi eq, %jit3A, %eq3A : i32
      %jit3A_101 = arith.constant 1 : i32
      %select_n3A = arith.select %eq3A_100, %jit3A_101, %jit3A : i32
      %rem3A = arith.remsi %scan3A_98, %select_n3A : i32
      %ne3A = arith.constant 0 : i32
      %ne3A_102 = arith.cmpi ne, %rem3A, %ne3A : i32
      %lt3A = arith.constant 0 : i32
      %lt3A_103 = arith.cmpi slt, %rem3A, %lt3A : i32
      %lt3A_104 = arith.constant 0 : i32
      %lt3A_105 = arith.cmpi slt, %select_n3A, %lt3A_104 : i32
      %ne3A_106 = arith.xori %lt3A_103, %lt3A_105 : i1
      %and3A = arith.andi %ne3A_106, %ne3A_102 : i1
      %add3A_107 = arith.addi %rem3A, %select_n3A : i32
      %select_n3A_108 = arith.select %and3A, %add3A_107, %rem3A : i32
      %dma_wait3A_109 = arith.constant 0 : i32
      %dma_wait3A_110 = arith.constant 0 : i32
      %dma_wait3A_111 = tpu.memref_slice %arg9[%select_n3A_108, %dma_wait3A_109, %dma_wait3A_110] : memref<3x72x128xf32, #tpu.memory_space<vmem>> -> memref<1x72x128xf32, #tpu.memory_space<vmem>>
      %dma_wait3A_112 = tpu.memref_squeeze %dma_wait3A_111 : memref<1x72x128xf32, #tpu.memory_space<vmem>> -> memref<72x128xf32, #tpu.memory_space<vmem>>
      %dma_wait3A_113 = arith.constant 0 : i32
      %dma_wait3A_114 = arith.constant 0 : i32
      %dma_wait3A_115 = tpu.memref_slice %arg2[%dma_wait3A_113, %dma_wait3A_114] : memref<10000x128xf32, #tpu.memory_space<hbm>> -> memref<72x128xf32, #tpu.memory_space<hbm>>
      %dma_wait3A_116 = tpu.memref_slice %arg11[%select_n3A_108] : memref<3x!tpu.dma_semaphore, #tpu.memory_space<semaphore_mem>> -> memref<1x!tpu.dma_semaphore, #tpu.memory_space<semaphore_mem>>
      %dma_wait3A_117 = tpu.memref_squeeze %dma_wait3A_116 : memref<1x!tpu.dma_semaphore, #tpu.memory_space<semaphore_mem>> -> memref<!tpu.dma_semaphore, #tpu.memory_space<semaphore_mem>>
      %dma_wait3A_118 = arith.constant 0 : i32
      %dma_wait3A_119 = arith.constant 0 : i32
      %dma_wait3A_120 = tpu.memref_slice %arg9[%select_n3A_108, %dma_wait3A_118, %dma_wait3A_119] : memref<3x72x128xf32, #tpu.memory_space<vmem>> -> memref<1x72x128xf32, #tpu.memory_space<vmem>>
      %dma_wait3A_121 = tpu.memref_squeeze %dma_wait3A_120 : memref<1x72x128xf32, #tpu.memory_space<vmem>> -> memref<72x128xf32, #tpu.memory_space<vmem>>
      %dma_wait3A_122 = arith.constant 0 : i32
      %dma_wait3A_123 = arith.constant 0 : i32
      %dma_wait3A_124 = tpu.memref_slice %arg2[%dma_wait3A_122, %dma_wait3A_123] : memref<10000x128xf32, #tpu.memory_space<hbm>> -> memref<72x128xf32, #tpu.memory_space<hbm>>
      tpu.wait_dma2 semaphore(%dma_wait3A_117 : memref<!tpu.dma_semaphore, #tpu.memory_space<semaphore_mem>>) src(%dma_wait3A_124 : memref<72x128xf32, #tpu.memory_space<hbm>>) dst(%dma_wait3A_121 : memref<72x128xf32, #tpu.memory_space<vmem>>)
      %dma_start3A_125 = arith.constant 0 : i32
      %dma_start3A_126 = arith.constant 0 : i32
      %dma_start3A_127 = tpu.memref_slice %arg9[%select_n3A_108, %dma_start3A_125, %dma_start3A_126] : memref<3x72x128xf32, #tpu.memory_space<vmem>> -> memref<1x72x128xf32, #tpu.memory_space<vmem>>
      %dma_start3A_128 = tpu.memref_squeeze %dma_start3A_127 : memref<1x72x128xf32, #tpu.memory_space<vmem>> -> memref<72x128xf32, #tpu.memory_space<vmem>>
      %dma_start3A_129 = arith.constant 0 : i32
      %dma_start3A_130 = tpu.memref_slice %arg8[%scan3A_98, %dma_start3A_129] : memref<139x72xi32, #tpu.memory_space<vmem>> -> memref<1x72xi32, #tpu.memory_space<vmem>>
      %dma_start3A_131 = tpu.memref_squeeze %dma_start3A_130 : memref<1x72xi32, #tpu.memory_space<vmem>> -> memref<72xi32, #tpu.memory_space<vmem>>
      %dma_start3A_132 = arith.constant 0 : i32
      %dma_start3A_133 = arith.constant 0 : i32
      %dma_start3A_134 = tpu.memref_slice %arg10[%dma_start3A_132, %dma_start3A_133] : memref<10240x128xf32, #tpu.memory_space<vmem_shared>> -> memref<10240x128xf32, #tpu.memory_space<vmem_shared>>
      %dma_start3A_135 = tpu.memref_slice %arg12[%select_n3A_108] : memref<3x!tpu.dma_semaphore, #tpu.memory_space<semaphore_mem>> -> memref<1x!tpu.dma_semaphore, #tpu.memory_space<semaphore_mem>>
      %dma_start3A_136 = tpu.memref_squeeze %dma_start3A_135 : memref<1x!tpu.dma_semaphore, #tpu.memory_space<semaphore_mem>> -> memref<!tpu.dma_semaphore, #tpu.memory_space<semaphore_mem>>
      tpu.enqueue_indirect_dma source(%dma_start3A_128 : memref<72x128xf32, #tpu.memory_space<vmem>>) target(%dma_start3A_134 : memref<10240x128xf32, #tpu.memory_space<vmem_shared>>) offsets(%dma_start3A_131 : memref<72xi32, #tpu.memory_space<vmem>>) semaphore(%dma_start3A_136 : memref<!tpu.dma_semaphore, #tpu.memory_space<semaphore_mem>>) {add = true}
      %add3A_137 = arith.constant 3 : i32
      %add3A_138 = arith.addi %scan3A_98, %add3A_137 : i32
      %sub3A = arith.constant 1 : i32
      %sub3A_139 = arith.subi %add3A_138, %sub3A : i32
      %lt3A_140 = arith.constant 139 : i32
      %lt3A_141 = arith.cmpi slt, %sub3A_139, %lt3A_140 : i32
      %convert_element_type3A = arith.extui %lt3A_141 : i1 to i32
      %cond3A = arith.constant 0 : i32
      %cond3A_142 = arith.cmpi ne, %convert_element_type3A, %cond3A : i32
      scf.if %cond3A_142 {
        %add3A_144 = arith.constant 3 : i32
        %add3A_145 = arith.addi %scan3A_98, %add3A_144 : i32
        %sub3A_146 = arith.constant 1 : i32
        %sub3A_147 = arith.subi %add3A_145, %sub3A_146 : i32
        %jit3A_148 = arith.constant 3 : i32
        %eq3A_149 = arith.constant 0 : i32
        %eq3A_150 = arith.cmpi eq, %jit3A_148, %eq3A_149 : i32
        %jit3A_151 = arith.constant 1 : i32
        %select_n3A_152 = arith.select %eq3A_150, %jit3A_151, %jit3A_148 : i32
        %rem3A_153 = arith.remsi %sub3A_147, %select_n3A_152 : i32
        %ne3A_154 = arith.constant 0 : i32
        %ne3A_155 = arith.cmpi ne, %rem3A_153, %ne3A_154 : i32
        %lt3A_156 = arith.constant 0 : i32
        %lt3A_157 = arith.cmpi slt, %rem3A_153, %lt3A_156 : i32
        %lt3A_158 = arith.constant 0 : i32
        %lt3A_159 = arith.cmpi slt, %select_n3A_152, %lt3A_158 : i32
        %ne3A_160 = arith.xori %lt3A_157, %lt3A_159 : i1
        %and3A_161 = arith.andi %ne3A_160, %ne3A_155 : i1
        %add3A_162 = arith.addi %rem3A_153, %select_n3A_152 : i32
        %select_n3A_163 = arith.select %and3A_161, %add3A_162, %rem3A_153 : i32
        %ge3A = arith.constant 1 : i32
        %ge3A_164 = arith.cmpi sge, %scan3A_98, %ge3A : i32
        %convert_element_type3A_165 = arith.extui %ge3A_164 : i1 to i32
        %cond3A_166 = arith.constant 0 : i32
        %cond3A_167 = arith.cmpi ne, %convert_element_type3A_165, %cond3A_166 : i32
        scf.if %cond3A_167 {
          %dma_wait3A_184 = arith.constant 0 : i32
          %dma_wait3A_185 = arith.constant 0 : i32
          %dma_wait3A_186 = tpu.memref_slice %arg9[%select_n3A_163, %dma_wait3A_184, %dma_wait3A_185] : memref<3x72x128xf32, #tpu.memory_space<vmem>> -> memref<1x72x128xf32, #tpu.memory_space<vmem>>
          %dma_wait3A_187 = tpu.memref_squeeze %dma_wait3A_186 : memref<1x72x128xf32, #tpu.memory_space<vmem>> -> memref<72x128xf32, #tpu.memory_space<vmem>>
          %dma_wait3A_188 = arith.constant 0 : i32
          %dma_wait3A_189 = arith.constant 0 : i32
          %dma_wait3A_190 = tpu.memref_slice %arg2[%dma_wait3A_188, %dma_wait3A_189] : memref<10000x128xf32, #tpu.memory_space<hbm>> -> memref<72x128xf32, #tpu.memory_space<hbm>>
          %dma_wait3A_191 = tpu.memref_slice %arg12[%select_n3A_163] : memref<3x!tpu.dma_semaphore, #tpu.memory_space<semaphore_mem>> -> memref<1x!tpu.dma_semaphore, #tpu.memory_space<semaphore_mem>>
          %dma_wait3A_192 = tpu.memref_squeeze %dma_wait3A_191 : memref<1x!tpu.dma_semaphore, #tpu.memory_space<semaphore_mem>> -> memref<!tpu.dma_semaphore, #tpu.memory_space<semaphore_mem>>
          %dma_wait3A_193 = arith.constant 0 : i32
          %dma_wait3A_194 = arith.constant 0 : i32
          %dma_wait3A_195 = tpu.memref_slice %arg9[%select_n3A_163, %dma_wait3A_193, %dma_wait3A_194] : memref<3x72x128xf32, #tpu.memory_space<vmem>> -> memref<1x72x128xf32, #tpu.memory_space<vmem>>
          %dma_wait3A_196 = tpu.memref_squeeze %dma_wait3A_195 : memref<1x72x128xf32, #tpu.memory_space<vmem>> -> memref<72x128xf32, #tpu.memory_space<vmem>>
          %dma_wait3A_197 = arith.constant 0 : i32
          %dma_wait3A_198 = arith.constant 0 : i32
          %dma_wait3A_199 = tpu.memref_slice %arg2[%dma_wait3A_197, %dma_wait3A_198] : memref<10000x128xf32, #tpu.memory_space<hbm>> -> memref<72x128xf32, #tpu.memory_space<hbm>>
          tpu.wait_dma2 semaphore(%dma_wait3A_192 : memref<!tpu.dma_semaphore, #tpu.memory_space<semaphore_mem>>) src(%dma_wait3A_199 : memref<72x128xf32, #tpu.memory_space<hbm>>) dst(%dma_wait3A_196 : memref<72x128xf32, #tpu.memory_space<vmem>>)
        } else {
        }
        %add3A_168 = arith.constant 3 : i32
        %add3A_169 = arith.addi %scan3A_98, %add3A_168 : i32
        %sub3A_170 = arith.constant 1 : i32
        %sub3A_171 = arith.subi %add3A_169, %sub3A_170 : i32
        %dma_start3A_172 = arith.constant 0 : i32
        %dma_start3A_173 = arith.constant 0 : i32
        %dma_start3A_174 = tpu.memref_slice %arg9[%select_n3A_163, %dma_start3A_172, %dma_start3A_173] : memref<3x72x128xf32, #tpu.memory_space<vmem>> -> memref<1x72x128xf32, #tpu.memory_space<vmem>>
        %dma_start3A_175 = tpu.memref_squeeze %dma_start3A_174 : memref<1x72x128xf32, #tpu.memory_space<vmem>> -> memref<72x128xf32, #tpu.memory_space<vmem>>
        %dma_start3A_176 = arith.constant 0 : i32
        %dma_start3A_177 = tpu.memref_slice %arg7[%sub3A_171, %dma_start3A_176] : memref<139x72xi32, #tpu.memory_space<vmem>> -> memref<1x72xi32, #tpu.memory_space<vmem>>
        %dma_start3A_178 = tpu.memref_squeeze %dma_start3A_177 : memref<1x72xi32, #tpu.memory_space<vmem>> -> memref<72xi32, #tpu.memory_space<vmem>>
        %dma_start3A_179 = arith.constant 0 : i32
        %dma_start3A_180 = arith.constant 0 : i32
        %dma_start3A_181 = tpu.memref_slice %arg2[%dma_start3A_179, %dma_start3A_180] : memref<10000x128xf32, #tpu.memory_space<hbm>> -> memref<10000x128xf32, #tpu.memory_space<hbm>>
        %dma_start3A_182 = tpu.memref_slice %arg11[%select_n3A_163] : memref<3x!tpu.dma_semaphore, #tpu.memory_space<semaphore_mem>> -> memref<1x!tpu.dma_semaphore, #tpu.memory_space<semaphore_mem>>
        %dma_start3A_183 = tpu.memref_squeeze %dma_start3A_182 : memref<1x!tpu.dma_semaphore, #tpu.memory_space<semaphore_mem>> -> memref<!tpu.dma_semaphore, #tpu.memory_space<semaphore_mem>>
        tpu.enqueue_indirect_dma source(%dma_start3A_181 : memref<10000x128xf32, #tpu.memory_space<hbm>>) target(%dma_start3A_175 : memref<72x128xf32, #tpu.memory_space<vmem>>) offsets(%dma_start3A_178 : memref<72xi32, #tpu.memory_space<vmem>>) semaphore(%dma_start3A_183 : memref<!tpu.dma_semaphore, #tpu.memory_space<semaphore_mem>>)
      } else {
      }
      %scan3A_143 = arith.constant 0 : i32
      scf.yield %scan3A_143 : i32
    }
    %scan3A_39 = arith.constant 139 : i32
    %dma_wait3A = arith.constant 0 : i32
    %dma_wait3A_40 = arith.constant 0 : i32
    %dma_wait3A_41 = arith.constant 0 : i32
    %dma_wait3A_42 = arith.constant 0 : i32
    %dma_wait3A_43 = tpu.memref_slice %arg9[%dma_wait3A, %dma_wait3A_41, %dma_wait3A_42] : memref<3x72x128xf32, #tpu.memory_space<vmem>> -> memref<1x72x128xf32, #tpu.memory_space<vmem>>
    %dma_wait3A_44 = tpu.memref_squeeze %dma_wait3A_43 : memref<1x72x128xf32, #tpu.memory_space<vmem>> -> memref<72x128xf32, #tpu.memory_space<vmem>>
    %dma_wait3A_45 = arith.constant 0 : i32
    %dma_wait3A_46 = arith.constant 0 : i32
    %dma_wait3A_47 = tpu.memref_slice %arg2[%dma_wait3A_45, %dma_wait3A_46] : memref<10000x128xf32, #tpu.memory_space<hbm>> -> memref<72x128xf32, #tpu.memory_space<hbm>>
    %dma_wait3A_48 = tpu.memref_slice %arg12[%dma_wait3A_40] : memref<3x!tpu.dma_semaphore, #tpu.memory_space<semaphore_mem>> -> memref<1x!tpu.dma_semaphore, #tpu.memory_space<semaphore_mem>>
    %dma_wait3A_49 = tpu.memref_squeeze %dma_wait3A_48 : memref<1x!tpu.dma_semaphore, #tpu.memory_space<semaphore_mem>> -> memref<!tpu.dma_semaphore, #tpu.memory_space<semaphore_mem>>
    %dma_wait3A_50 = arith.constant 0 : i32
    %dma_wait3A_51 = arith.constant 0 : i32
    %dma_wait3A_52 = tpu.memref_slice %arg9[%dma_wait3A, %dma_wait3A_50, %dma_wait3A_51] : memref<3x72x128xf32, #tpu.memory_space<vmem>> -> memref<1x72x128xf32, #tpu.memory_space<vmem>>
    %dma_wait3A_53 = tpu.memref_squeeze %dma_wait3A_52 : memref<1x72x128xf32, #tpu.memory_space<vmem>> -> memref<72x128xf32, #tpu.memory_space<vmem>>
    %dma_wait3A_54 = arith.constant 0 : i32
    %dma_wait3A_55 = arith.constant 0 : i32
    %dma_wait3A_56 = tpu.memref_slice %arg2[%dma_wait3A_54, %dma_wait3A_55] : memref<10000x128xf32, #tpu.memory_space<hbm>> -> memref<72x128xf32, #tpu.memory_space<hbm>>
    tpu.wait_dma2 semaphore(%dma_wait3A_49 : memref<!tpu.dma_semaphore, #tpu.memory_space<semaphore_mem>>) src(%dma_wait3A_56 : memref<72x128xf32, #tpu.memory_space<hbm>>) dst(%dma_wait3A_53 : memref<72x128xf32, #tpu.memory_space<vmem>>)
    %dma_wait3A_57 = arith.constant 1 : i32
    %dma_wait3A_58 = arith.constant 1 : i32
    %dma_wait3A_59 = arith.constant 0 : i32
    %dma_wait3A_60 = arith.constant 0 : i32
    %dma_wait3A_61 = tpu.memref_slice %arg9[%dma_wait3A_57, %dma_wait3A_59, %dma_wait3A_60] : memref<3x72x128xf32, #tpu.memory_space<vmem>> -> memref<1x72x128xf32, #tpu.memory_space<vmem>>
    %dma_wait3A_62 = tpu.memref_squeeze %dma_wait3A_61 : memref<1x72x128xf32, #tpu.memory_space<vmem>> -> memref<72x128xf32, #tpu.memory_space<vmem>>
    %dma_wait3A_63 = arith.constant 0 : i32
    %dma_wait3A_64 = arith.constant 0 : i32
    %dma_wait3A_65 = tpu.memref_slice %arg2[%dma_wait3A_63, %dma_wait3A_64] : memref<10000x128xf32, #tpu.memory_space<hbm>> -> memref<72x128xf32, #tpu.memory_space<hbm>>
    %dma_wait3A_66 = tpu.memref_slice %arg12[%dma_wait3A_58] : memref<3x!tpu.dma_semaphore, #tpu.memory_space<semaphore_mem>> -> memref<1x!tpu.dma_semaphore, #tpu.memory_space<semaphore_mem>>
    %dma_wait3A_67 = tpu.memref_squeeze %dma_wait3A_66 : memref<1x!tpu.dma_semaphore, #tpu.memory_space<semaphore_mem>> -> memref<!tpu.dma_semaphore, #tpu.memory_space<semaphore_mem>>
    %dma_wait3A_68 = arith.constant 0 : i32
    %dma_wait3A_69 = arith.constant 0 : i32
    %dma_wait3A_70 = tpu.memref_slice %arg9[%dma_wait3A_57, %dma_wait3A_68, %dma_wait3A_69] : memref<3x72x128xf32, #tpu.memory_space<vmem>> -> memref<1x72x128xf32, #tpu.memory_space<vmem>>
    %dma_wait3A_71 = tpu.memref_squeeze %dma_wait3A_70 : memref<1x72x128xf32, #tpu.memory_space<vmem>> -> memref<72x128xf32, #tpu.memory_space<vmem>>
    %dma_wait3A_72 = arith.constant 0 : i32
    %dma_wait3A_73 = arith.constant 0 : i32
    %dma_wait3A_74 = tpu.memref_slice %arg2[%dma_wait3A_72, %dma_wait3A_73] : memref<10000x128xf32, #tpu.memory_space<hbm>> -> memref<72x128xf32, #tpu.memory_space<hbm>>
    tpu.wait_dma2 semaphore(%dma_wait3A_67 : memref<!tpu.dma_semaphore, #tpu.memory_space<semaphore_mem>>) src(%dma_wait3A_74 : memref<72x128xf32, #tpu.memory_space<hbm>>) dst(%dma_wait3A_71 : memref<72x128xf32, #tpu.memory_space<vmem>>)
    %dma_wait3A_75 = arith.constant 2 : i32
    %dma_wait3A_76 = arith.constant 2 : i32
    %dma_wait3A_77 = arith.constant 0 : i32
    %dma_wait3A_78 = arith.constant 0 : i32
    %dma_wait3A_79 = tpu.memref_slice %arg9[%dma_wait3A_75, %dma_wait3A_77, %dma_wait3A_78] : memref<3x72x128xf32, #tpu.memory_space<vmem>> -> memref<1x72x128xf32, #tpu.memory_space<vmem>>
    %dma_wait3A_80 = tpu.memref_squeeze %dma_wait3A_79 : memref<1x72x128xf32, #tpu.memory_space<vmem>> -> memref<72x128xf32, #tpu.memory_space<vmem>>
    %dma_wait3A_81 = arith.constant 0 : i32
    %dma_wait3A_82 = arith.constant 0 : i32
    %dma_wait3A_83 = tpu.memref_slice %arg2[%dma_wait3A_81, %dma_wait3A_82] : memref<10000x128xf32, #tpu.memory_space<hbm>> -> memref<72x128xf32, #tpu.memory_space<hbm>>
    %dma_wait3A_84 = tpu.memref_slice %arg12[%dma_wait3A_76] : memref<3x!tpu.dma_semaphore, #tpu.memory_space<semaphore_mem>> -> memref<1x!tpu.dma_semaphore, #tpu.memory_space<semaphore_mem>>
    %dma_wait3A_85 = tpu.memref_squeeze %dma_wait3A_84 : memref<1x!tpu.dma_semaphore, #tpu.memory_space<semaphore_mem>> -> memref<!tpu.dma_semaphore, #tpu.memory_space<semaphore_mem>>
    %dma_wait3A_86 = arith.constant 0 : i32
    %dma_wait3A_87 = arith.constant 0 : i32
    %dma_wait3A_88 = tpu.memref_slice %arg9[%dma_wait3A_75, %dma_wait3A_86, %dma_wait3A_87] : memref<3x72x128xf32, #tpu.memory_space<vmem>> -> memref<1x72x128xf32, #tpu.memory_space<vmem>>
    %dma_wait3A_89 = tpu.memref_squeeze %dma_wait3A_88 : memref<1x72x128xf32, #tpu.memory_space<vmem>> -> memref<72x128xf32, #tpu.memory_space<vmem>>
    %dma_wait3A_90 = arith.constant 0 : i32
    %dma_wait3A_91 = arith.constant 0 : i32
    %dma_wait3A_92 = tpu.memref_slice %arg2[%dma_wait3A_90, %dma_wait3A_91] : memref<10000x128xf32, #tpu.memory_space<hbm>> -> memref<72x128xf32, #tpu.memory_space<hbm>>
    tpu.wait_dma2 semaphore(%dma_wait3A_85 : memref<!tpu.dma_semaphore, #tpu.memory_space<semaphore_mem>>) src(%dma_wait3A_92 : memref<72x128xf32, #tpu.memory_space<hbm>>) dst(%dma_wait3A_89 : memref<72x128xf32, #tpu.memory_space<vmem>>)
    %barrier3A_93 = arith.constant 0 : index
    tpu.barrier barrier_id(%barrier3A_93)
    %mul3A_94 = arith.constant 640 : i32
    %mul3A_95 = arith.muli %arg1, %mul3A_94 : i32
    %mul3A_96 = arith.constant 640 : i32
    %mul3A_97 = arith.muli %arg1, %mul3A_96 : i32
    "tpu.region"() ({
      %run_scoped3A = tpu.sem_alloc : memref<!tpu.dma_semaphore, #tpu.memory_space<semaphore_mem>>
      %dma_start3A_98 = arith.constant 0 : i32
      %dma_start3A_99 = tpu.memref_slice %arg6[%arg0, %mul3A_97, %dma_start3A_98] : memref<2x10240x128xf32, #tpu.memory_space<hbm>> -> memref<1x640x128xf32, #tpu.memory_space<hbm>>
      %dma_start3A_100 = tpu.memref_squeeze %dma_start3A_99 : memref<1x640x128xf32, #tpu.memory_space<hbm>> -> memref<640x128xf32, #tpu.memory_space<hbm>>
      %dma_start3A_101 = arith.constant 0 : i32
      %dma_start3A_102 = tpu.memref_slice %arg10[%mul3A_95, %dma_start3A_101] : memref<10240x128xf32, #tpu.memory_space<vmem_shared>> -> memref<640x128xf32, #tpu.memory_space<vmem_shared>>
      tpu.enqueue_dma source(%dma_start3A_102 : memref<640x128xf32, #tpu.memory_space<vmem_shared>>) target(%dma_start3A_100 : memref<640x128xf32, #tpu.memory_space<hbm>>) target_semaphore(%run_scoped3A : memref<!tpu.dma_semaphore, #tpu.memory_space<semaphore_mem>>)
      %dma_wait3A_103 = arith.constant 0 : i32
      %dma_wait3A_104 = tpu.memref_slice %arg6[%arg0, %mul3A_97, %dma_wait3A_103] : memref<2x10240x128xf32, #tpu.memory_space<hbm>> -> memref<1x640x128xf32, #tpu.memory_space<hbm>>
      %dma_wait3A_105 = tpu.memref_squeeze %dma_wait3A_104 : memref<1x640x128xf32, #tpu.memory_space<hbm>> -> memref<640x128xf32, #tpu.memory_space<hbm>>
      %dma_wait3A_106 = arith.constant 0 : i32
      %dma_wait3A_107 = tpu.memref_slice %arg10[%mul3A_95, %dma_wait3A_106] : memref<10240x128xf32, #tpu.memory_space<vmem_shared>> -> memref<640x128xf32, #tpu.memory_space<vmem_shared>>
      tpu.wait_dma2 semaphore(%run_scoped3A : memref<!tpu.dma_semaphore, #tpu.memory_space<semaphore_mem>>) src(%dma_wait3A_107 : memref<640x128xf32, #tpu.memory_space<vmem_shared>>) dst(%dma_wait3A_105 : memref<640x128xf32, #tpu.memory_space<hbm>>)
      tpu.yield
    }) : () -> ()
    return
  }
}

#map = affine_map<(d0, d1) -> (0)>
#map1 = affine_map<(d0, d1) -> (0, 0)>
module attributes {stable_mosaic.version = 14 : i64} {
  func.func @_deg_body(%arg0: i32, %arg1: i32, %arg2: memref<320000xi32, #tpu.memory_space<hbm>>, %arg3: memref<2x10240xf32, #tpu.memory_space<hbm>>, %arg4: memref<10000xi32, #tpu.memory_space<vmem>>, %arg5: memref<10240xf32, #tpu.memory_space<vmem>>, %arg6: memref<16x640xf32, #tpu.memory_space<vmem>>, %arg7: memref<640xf32, #tpu.memory_space<vmem>>, %arg8: memref<16x10240xf32, #tpu.memory_space<vmem_shared>>) attributes {dimension_semantics = [#tpu.dimension_semantics<core_parallel>, #tpu.dimension_semantics<subcore_parallel>], iteration_bounds = array<i64: 2, 16>, scalar_prefetch = 0 : i64, scratch_operands = 5 : i64, tpu.core_type = #tpu.core_type<sc_vector_subcore>, window_params = [{transform_indices = #map}, {transform_indices = #map1}]} {
    %mul3A = arith.constant 2 : i32
    %mul3A_0 = arith.muli %arg1, %mul3A : i32
    %add3A = arith.addi %mul3A_0, %arg0 : i32
    %broadcast_in_dim3A = arith.constant 0.000000e+00 : f32
    %broadcast_in_dim3A_1 = vector.broadcast %broadcast_in_dim3A : f32 to vector<16xf32>
    %broadcast_in_dim3A_2 = arith.constant 1.000000e+00 : f32
    %broadcast_in_dim3A_3 = vector.broadcast %broadcast_in_dim3A_2 : f32 to vector<16xf32>
    %scan3A = arith.constant 0 : i32
    %scan3A_4 = arith.constant 0 : i32
    %scan3A_5 = arith.constant 640 : i32
    %scan3A_6 = arith.addi %scan3A_4, %scan3A_5 : i32
    %scan3A_7 = arith.constant 1 : i32
    %scan3A_8 = scf.for %scan3A_30 = %scan3A_4 to %scan3A_6 step %scan3A_7 iter_args(%scan3A_31 = %scan3A) -> (i32)  : i32 {
      %mul3A_32 = arith.constant 16 : i32
      %mul3A_33 = arith.muli %scan3A_30, %mul3A_32 : i32
      %swap3A = arith.index_cast %mul3A_33 : i32 to index
      %swap3A_34 = tpu.vector_load %arg5[%swap3A] {strides = array<i32>} : memref<10240xf32, #tpu.memory_space<vmem>>, vector<16xf32>,
      tpu.vector_store %arg5[%swap3A], %broadcast_in_dim3A_1 {strides = array<i32>} : memref<10240xf32, #tpu.memory_space<vmem>>, vector<16xf32>,
      %scan3A_35 = arith.constant 0 : i32
      scf.yield %scan3A_35 : i32
    }
    %scan3A_9 = arith.constant 640 : i32
    %mul3A_10 = arith.constant 10000 : i32
    %mul3A_11 = arith.muli %add3A, %mul3A_10 : i32
    "tpu.region"() ({
      %run_scoped3A = tpu.sem_alloc : memref<!tpu.dma_semaphore, #tpu.memory_space<semaphore_mem>>
      %dma_start3A = tpu.memref_slice %arg2[%mul3A_11] : memref<320000xi32, #tpu.memory_space<hbm>> -> memref<10000xi32, #tpu.memory_space<hbm>>
      %dma_start3A_30 = tpu.memref_slice %arg2[%mul3A_11] : memref<320000xi32, #tpu.memory_space<hbm>> -> memref<10000xi32, #tpu.memory_space<hbm>>
      tpu.enqueue_dma source(%dma_start3A_30 : memref<10000xi32, #tpu.memory_space<hbm>>) target(%arg4 : memref<10000xi32, #tpu.memory_space<vmem>>) target_semaphore(%run_scoped3A : memref<!tpu.dma_semaphore, #tpu.memory_space<semaphore_mem>>)
      %dma_wait3A = tpu.memref_slice %arg2[%mul3A_11] : memref<320000xi32, #tpu.memory_space<hbm>> -> memref<10000xi32, #tpu.memory_space<hbm>>
      %dma_wait3A_31 = tpu.memref_slice %arg2[%mul3A_11] : memref<320000xi32, #tpu.memory_space<hbm>> -> memref<10000xi32, #tpu.memory_space<hbm>>
      tpu.wait_dma2 semaphore(%run_scoped3A : memref<!tpu.dma_semaphore, #tpu.memory_space<semaphore_mem>>) src(%dma_wait3A_31 : memref<10000xi32, #tpu.memory_space<hbm>>) dst(%arg4 : memref<10000xi32, #tpu.memory_space<vmem>>)
      tpu.yield
    }) : () -> ()
    %scan3A_12 = arith.constant 0 : i32
    %scan3A_13 = arith.constant 0 : i32
    %scan3A_14 = arith.constant 625 : i32
    %scan3A_15 = arith.addi %scan3A_13, %scan3A_14 : i32
    %scan3A_16 = arith.constant 1 : i32
    %scan3A_17 = scf.for %scan3A_30 = %scan3A_13 to %scan3A_15 step %scan3A_16 iter_args(%scan3A_31 = %scan3A_12) -> (i32)  : i32 {
      %mul3A_32 = arith.constant 16 : i32
      %mul3A_33 = arith.muli %scan3A_30, %mul3A_32 : i32
      %get3A = arith.index_cast %mul3A_33 : i32 to index
      %get3A_34 = tpu.vector_load %arg4[%get3A] {strides = array<i32>} : memref<10000xi32, #tpu.memory_space<vmem>>, vector<16xi32>,
      tpu.vector_store_idx %arg5[%get3A_34], %broadcast_in_dim3A_3 {add = true} : memref<10240xf32, #tpu.memory_space<vmem>>[vector<16xi32>], vector<16xf32>,
      %scan3A_35 = arith.constant 0 : i32
      scf.yield %scan3A_35 : i32
    }
    %scan3A_18 = arith.constant 625 : i32
    "tpu.region"() ({
      %run_scoped3A = tpu.sem_alloc : memref<!tpu.dma_semaphore, #tpu.memory_space<semaphore_mem>>
      %dma_start3A = arith.constant 0 : i32
      %dma_start3A_30 = tpu.memref_slice %arg8[%arg1, %dma_start3A] : memref<16x10240xf32, #tpu.memory_space<vmem_shared>> -> memref<1x10240xf32, #tpu.memory_space<vmem_shared>>
      %dma_start3A_31 = tpu.memref_squeeze %dma_start3A_30 : memref<1x10240xf32, #tpu.memory_space<vmem_shared>> -> memref<10240xf32, #tpu.memory_space<vmem_shared>>
      %dma_start3A_32 = arith.constant 0 : i32
      %dma_start3A_33 = tpu.memref_slice %arg8[%arg1, %dma_start3A_32] : memref<16x10240xf32, #tpu.memory_space<vmem_shared>> -> memref<1x10240xf32, #tpu.memory_space<vmem_shared>>
      %dma_start3A_34 = tpu.memref_squeeze %dma_start3A_33 : memref<1x10240xf32, #tpu.memory_space<vmem_shared>> -> memref<10240xf32, #tpu.memory_space<vmem_shared>>
      tpu.enqueue_dma source(%arg5 : memref<10240xf32, #tpu.memory_space<vmem>>) target(%dma_start3A_34 : memref<10240xf32, #tpu.memory_space<vmem_shared>>) target_semaphore(%run_scoped3A : memref<!tpu.dma_semaphore, #tpu.memory_space<semaphore_mem>>)
      %dma_wait3A = arith.constant 0 : i32
      %dma_wait3A_35 = tpu.memref_slice %arg8[%arg1, %dma_wait3A] : memref<16x10240xf32, #tpu.memory_space<vmem_shared>> -> memref<1x10240xf32, #tpu.memory_space<vmem_shared>>
      %dma_wait3A_36 = tpu.memref_squeeze %dma_wait3A_35 : memref<1x10240xf32, #tpu.memory_space<vmem_shared>> -> memref<10240xf32, #tpu.memory_space<vmem_shared>>
      %dma_wait3A_37 = arith.constant 0 : i32
      %dma_wait3A_38 = tpu.memref_slice %arg8[%arg1, %dma_wait3A_37] : memref<16x10240xf32, #tpu.memory_space<vmem_shared>> -> memref<1x10240xf32, #tpu.memory_space<vmem_shared>>
      %dma_wait3A_39 = tpu.memref_squeeze %dma_wait3A_38 : memref<1x10240xf32, #tpu.memory_space<vmem_shared>> -> memref<10240xf32, #tpu.memory_space<vmem_shared>>
      tpu.wait_dma2 semaphore(%run_scoped3A : memref<!tpu.dma_semaphore, #tpu.memory_space<semaphore_mem>>) src(%arg5 : memref<10240xf32, #tpu.memory_space<vmem>>) dst(%dma_wait3A_39 : memref<10240xf32, #tpu.memory_space<vmem_shared>>)
      tpu.yield
    }) : () -> ()
    %barrier3A = arith.constant 0 : index
    tpu.barrier barrier_id(%barrier3A)
    %mul3A_19 = arith.constant 640 : i32
    %mul3A_20 = arith.muli %arg1, %mul3A_19 : i32
    "tpu.region"() ({
      %run_scoped3A = tpu.sem_alloc : memref<!tpu.dma_semaphore, #tpu.memory_space<semaphore_mem>>
      %dma_start3A = arith.constant 0 : i32
      %dma_start3A_30 = tpu.memref_slice %arg8[%dma_start3A, %mul3A_20] : memref<16x10240xf32, #tpu.memory_space<vmem_shared>> -> memref<16x640xf32, #tpu.memory_space<vmem_shared>>
      %dma_start3A_31 = arith.constant 0 : i32
      %dma_start3A_32 = tpu.memref_slice %arg8[%dma_start3A_31, %mul3A_20] : memref<16x10240xf32, #tpu.memory_space<vmem_shared>> -> memref<16x640xf32, #tpu.memory_space<vmem_shared>>
      tpu.enqueue_dma source(%dma_start3A_32 : memref<16x640xf32, #tpu.memory_space<vmem_shared>>) target(%arg6 : memref<16x640xf32, #tpu.memory_space<vmem>>) target_semaphore(%run_scoped3A : memref<!tpu.dma_semaphore, #tpu.memory_space<semaphore_mem>>)
      %dma_wait3A = arith.constant 0 : i32
      %dma_wait3A_33 = tpu.memref_slice %arg8[%dma_wait3A, %mul3A_20] : memref<16x10240xf32, #tpu.memory_space<vmem_shared>> -> memref<16x640xf32, #tpu.memory_space<vmem_shared>>
      %dma_wait3A_34 = arith.constant 0 : i32
      %dma_wait3A_35 = tpu.memref_slice %arg8[%dma_wait3A_34, %mul3A_20] : memref<16x10240xf32, #tpu.memory_space<vmem_shared>> -> memref<16x640xf32, #tpu.memory_space<vmem_shared>>
      tpu.wait_dma2 semaphore(%run_scoped3A : memref<!tpu.dma_semaphore, #tpu.memory_space<semaphore_mem>>) src(%dma_wait3A_35 : memref<16x640xf32, #tpu.memory_space<vmem_shared>>) dst(%arg6 : memref<16x640xf32, #tpu.memory_space<vmem>>)
      tpu.yield
    }) : () -> ()
    %scan3A_21 = arith.constant 0 : i32
    %scan3A_22 = arith.constant 0 : i32
    %scan3A_23 = arith.constant 40 : i32
    %scan3A_24 = arith.addi %scan3A_22, %scan3A_23 : i32
    %scan3A_25 = arith.constant 1 : i32
    %scan3A_26 = scf.for %scan3A_30 = %scan3A_22 to %scan3A_24 step %scan3A_25 iter_args(%scan3A_31 = %scan3A_21) -> (i32)  : i32 {
      %mul3A_32 = arith.constant 16 : i32
      %mul3A_33 = arith.muli %scan3A_30, %mul3A_32 : i32
      %get3A = arith.constant 0 : i32
      %get3A_34 = arith.index_cast %get3A : i32 to index
      %get3A_35 = arith.index_cast %mul3A_33 : i32 to index
      %get3A_36 = tpu.vector_load %arg6[%get3A_34, %get3A_35] {strides = array<i32>} : memref<16x640xf32, #tpu.memory_space<vmem>>, vector<16xf32>,
      %mul3A_37 = arith.constant 16 : i32
      %mul3A_38 = arith.muli %scan3A_30, %mul3A_37 : i32
      %get3A_39 = arith.constant 1 : i32
      %get3A_40 = arith.index_cast %get3A_39 : i32 to index
      %get3A_41 = arith.index_cast %mul3A_38 : i32 to index
      %get3A_42 = tpu.vector_load %arg6[%get3A_40, %get3A_41] {strides = array<i32>} : memref<16x640xf32, #tpu.memory_space<vmem>>, vector<16xf32>,
      %add3A_43 = arith.addf %get3A_36, %get3A_42 : vector<16xf32>
      %mul3A_44 = arith.constant 16 : i32
      %mul3A_45 = arith.muli %scan3A_30, %mul3A_44 : i32
      %get3A_46 = arith.constant 2 : i32
      %get3A_47 = arith.index_cast %get3A_46 : i32 to index
      %get3A_48 = arith.index_cast %mul3A_45 : i32 to index
      %get3A_49 = tpu.vector_load %arg6[%get3A_47, %get3A_48] {strides = array<i32>} : memref<16x640xf32, #tpu.memory_space<vmem>>, vector<16xf32>,
      %add3A_50 = arith.addf %add3A_43, %get3A_49 : vector<16xf32>
      %mul3A_51 = arith.constant 16 : i32
      %mul3A_52 = arith.muli %scan3A_30, %mul3A_51 : i32
      %get3A_53 = arith.constant 3 : i32
      %get3A_54 = arith.index_cast %get3A_53 : i32 to index
      %get3A_55 = arith.index_cast %mul3A_52 : i32 to index
      %get3A_56 = tpu.vector_load %arg6[%get3A_54, %get3A_55] {strides = array<i32>} : memref<16x640xf32, #tpu.memory_space<vmem>>, vector<16xf32>,
      %add3A_57 = arith.addf %add3A_50, %get3A_56 : vector<16xf32>
      %mul3A_58 = arith.constant 16 : i32
      %mul3A_59 = arith.muli %scan3A_30, %mul3A_58 : i32
      %get3A_60 = arith.constant 4 : i32
      %get3A_61 = arith.index_cast %get3A_60 : i32 to index
      %get3A_62 = arith.index_cast %mul3A_59 : i32 to index
      %get3A_63 = tpu.vector_load %arg6[%get3A_61, %get3A_62] {strides = array<i32>} : memref<16x640xf32, #tpu.memory_space<vmem>>, vector<16xf32>,
      %add3A_64 = arith.addf %add3A_57, %get3A_63 : vector<16xf32>
      %mul3A_65 = arith.constant 16 : i32
      %mul3A_66 = arith.muli %scan3A_30, %mul3A_65 : i32
      %get3A_67 = arith.constant 5 : i32
      %get3A_68 = arith.index_cast %get3A_67 : i32 to index
      %get3A_69 = arith.index_cast %mul3A_66 : i32 to index
      %get3A_70 = tpu.vector_load %arg6[%get3A_68, %get3A_69] {strides = array<i32>} : memref<16x640xf32, #tpu.memory_space<vmem>>, vector<16xf32>,
      %add3A_71 = arith.addf %add3A_64, %get3A_70 : vector<16xf32>
      %mul3A_72 = arith.constant 16 : i32
      %mul3A_73 = arith.muli %scan3A_30, %mul3A_72 : i32
      %get3A_74 = arith.constant 6 : i32
      %get3A_75 = arith.index_cast %get3A_74 : i32 to index
      %get3A_76 = arith.index_cast %mul3A_73 : i32 to index
      %get3A_77 = tpu.vector_load %arg6[%get3A_75, %get3A_76] {strides = array<i32>} : memref<16x640xf32, #tpu.memory_space<vmem>>, vector<16xf32>,
      %add3A_78 = arith.addf %add3A_71, %get3A_77 : vector<16xf32>
      %mul3A_79 = arith.constant 16 : i32
      %mul3A_80 = arith.muli %scan3A_30, %mul3A_79 : i32
      %get3A_81 = arith.constant 7 : i32
      %get3A_82 = arith.index_cast %get3A_81 : i32 to index
      %get3A_83 = arith.index_cast %mul3A_80 : i32 to index
      %get3A_84 = tpu.vector_load %arg6[%get3A_82, %get3A_83] {strides = array<i32>} : memref<16x640xf32, #tpu.memory_space<vmem>>, vector<16xf32>,
      %add3A_85 = arith.addf %add3A_78, %get3A_84 : vector<16xf32>
      %mul3A_86 = arith.constant 16 : i32
      %mul3A_87 = arith.muli %scan3A_30, %mul3A_86 : i32
      %get3A_88 = arith.constant 8 : i32
      %get3A_89 = arith.index_cast %get3A_88 : i32 to index
      %get3A_90 = arith.index_cast %mul3A_87 : i32 to index
      %get3A_91 = tpu.vector_load %arg6[%get3A_89, %get3A_90] {strides = array<i32>} : memref<16x640xf32, #tpu.memory_space<vmem>>, vector<16xf32>,
      %add3A_92 = arith.addf %add3A_85, %get3A_91 : vector<16xf32>
      %mul3A_93 = arith.constant 16 : i32
      %mul3A_94 = arith.muli %scan3A_30, %mul3A_93 : i32
      %get3A_95 = arith.constant 9 : i32
      %get3A_96 = arith.index_cast %get3A_95 : i32 to index
      %get3A_97 = arith.index_cast %mul3A_94 : i32 to index
      %get3A_98 = tpu.vector_load %arg6[%get3A_96, %get3A_97] {strides = array<i32>} : memref<16x640xf32, #tpu.memory_space<vmem>>, vector<16xf32>,
      %add3A_99 = arith.addf %add3A_92, %get3A_98 : vector<16xf32>
      %mul3A_100 = arith.constant 16 : i32
      %mul3A_101 = arith.muli %scan3A_30, %mul3A_100 : i32
      %get3A_102 = arith.constant 10 : i32
      %get3A_103 = arith.index_cast %get3A_102 : i32 to index
      %get3A_104 = arith.index_cast %mul3A_101 : i32 to index
      %get3A_105 = tpu.vector_load %arg6[%get3A_103, %get3A_104] {strides = array<i32>} : memref<16x640xf32, #tpu.memory_space<vmem>>, vector<16xf32>,
      %add3A_106 = arith.addf %add3A_99, %get3A_105 : vector<16xf32>
      %mul3A_107 = arith.constant 16 : i32
      %mul3A_108 = arith.muli %scan3A_30, %mul3A_107 : i32
      %get3A_109 = arith.constant 11 : i32
      %get3A_110 = arith.index_cast %get3A_109 : i32 to index
      %get3A_111 = arith.index_cast %mul3A_108 : i32 to index
      %get3A_112 = tpu.vector_load %arg6[%get3A_110, %get3A_111] {strides = array<i32>} : memref<16x640xf32, #tpu.memory_space<vmem>>, vector<16xf32>,
      %add3A_113 = arith.addf %add3A_106, %get3A_112 : vector<16xf32>
      %mul3A_114 = arith.constant 16 : i32
      %mul3A_115 = arith.muli %scan3A_30, %mul3A_114 : i32
      %get3A_116 = arith.constant 12 : i32
      %get3A_117 = arith.index_cast %get3A_116 : i32 to index
      %get3A_118 = arith.index_cast %mul3A_115 : i32 to index
      %get3A_119 = tpu.vector_load %arg6[%get3A_117, %get3A_118] {strides = array<i32>} : memref<16x640xf32, #tpu.memory_space<vmem>>, vector<16xf32>,
      %add3A_120 = arith.addf %add3A_113, %get3A_119 : vector<16xf32>
      %mul3A_121 = arith.constant 16 : i32
      %mul3A_122 = arith.muli %scan3A_30, %mul3A_121 : i32
      %get3A_123 = arith.constant 13 : i32
      %get3A_124 = arith.index_cast %get3A_123 : i32 to index
      %get3A_125 = arith.index_cast %mul3A_122 : i32 to index
      %get3A_126 = tpu.vector_load %arg6[%get3A_124, %get3A_125] {strides = array<i32>} : memref<16x640xf32, #tpu.memory_space<vmem>>, vector<16xf32>,
      %add3A_127 = arith.addf %add3A_120, %get3A_126 : vector<16xf32>
      %mul3A_128 = arith.constant 16 : i32
      %mul3A_129 = arith.muli %scan3A_30, %mul3A_128 : i32
      %get3A_130 = arith.constant 14 : i32
      %get3A_131 = arith.index_cast %get3A_130 : i32 to index
      %get3A_132 = arith.index_cast %mul3A_129 : i32 to index
      %get3A_133 = tpu.vector_load %arg6[%get3A_131, %get3A_132] {strides = array<i32>} : memref<16x640xf32, #tpu.memory_space<vmem>>, vector<16xf32>,
      %add3A_134 = arith.addf %add3A_127, %get3A_133 : vector<16xf32>
      %mul3A_135 = arith.constant 16 : i32
      %mul3A_136 = arith.muli %scan3A_30, %mul3A_135 : i32
      %get3A_137 = arith.constant 15 : i32
      %get3A_138 = arith.index_cast %get3A_137 : i32 to index
      %get3A_139 = arith.index_cast %mul3A_136 : i32 to index
      %get3A_140 = tpu.vector_load %arg6[%get3A_138, %get3A_139] {strides = array<i32>} : memref<16x640xf32, #tpu.memory_space<vmem>>, vector<16xf32>,
      %add3A_141 = arith.addf %add3A_134, %get3A_140 : vector<16xf32>
      %mul3A_142 = arith.constant 16 : i32
      %mul3A_143 = arith.muli %scan3A_30, %mul3A_142 : i32
      %swap3A = arith.index_cast %mul3A_143 : i32 to index
      %swap3A_144 = tpu.vector_load %arg7[%swap3A] {strides = array<i32>} : memref<640xf32, #tpu.memory_space<vmem>>, vector<16xf32>,
      tpu.vector_store %arg7[%swap3A], %add3A_141 {strides = array<i32>} : memref<640xf32, #tpu.memory_space<vmem>>, vector<16xf32>,
      %scan3A_145 = arith.constant 0 : i32
      scf.yield %scan3A_145 : i32
    }
    %scan3A_27 = arith.constant 40 : i32
    %mul3A_28 = arith.constant 640 : i32
    %mul3A_29 = arith.muli %arg1, %mul3A_28 : i32
    "tpu.region"() ({
      %run_scoped3A = tpu.sem_alloc : memref<!tpu.dma_semaphore, #tpu.memory_space<semaphore_mem>>
      %dma_start3A = tpu.memref_slice %arg3[%arg0, %mul3A_29] : memref<2x10240xf32, #tpu.memory_space<hbm>> -> memref<1x640xf32, #tpu.memory_space<hbm>>
      %dma_start3A_30 = tpu.memref_squeeze %dma_start3A : memref<1x640xf32, #tpu.memory_space<hbm>> -> memref<640xf32, #tpu.memory_space<hbm>>
      %dma_start3A_31 = tpu.memref_slice %arg3[%arg0, %mul3A_29] : memref<2x10240xf32, #tpu.memory_space<hbm>> -> memref<1x640xf32, #tpu.memory_space<hbm>>
      %dma_start3A_32 = tpu.memref_squeeze %dma_start3A_31 : memref<1x640xf32, #tpu.memory_space<hbm>> -> memref<640xf32, #tpu.memory_space<hbm>>
      tpu.enqueue_dma source(%arg7 : memref<640xf32, #tpu.memory_space<vmem>>) target(%dma_start3A_32 : memref<640xf32, #tpu.memory_space<hbm>>) target_semaphore(%run_scoped3A : memref<!tpu.dma_semaphore, #tpu.memory_space<semaphore_mem>>)
      %dma_wait3A = tpu.memref_slice %arg3[%arg0, %mul3A_29] : memref<2x10240xf32, #tpu.memory_space<hbm>> -> memref<1x640xf32, #tpu.memory_space<hbm>>
      %dma_wait3A_33 = tpu.memref_squeeze %dma_wait3A : memref<1x640xf32, #tpu.memory_space<hbm>> -> memref<640xf32, #tpu.memory_space<hbm>>
      %dma_wait3A_34 = tpu.memref_slice %arg3[%arg0, %mul3A_29] : memref<2x10240xf32, #tpu.memory_space<hbm>> -> memref<1x640xf32, #tpu.memory_space<hbm>>
      %dma_wait3A_35 = tpu.memref_squeeze %dma_wait3A_34 : memref<1x640xf32, #tpu.memory_space<hbm>> -> memref<640xf32, #tpu.memory_space<hbm>>
      tpu.wait_dma2 semaphore(%run_scoped3A : memref<!tpu.dma_semaphore, #tpu.memory_space<semaphore_mem>>) src(%arg7 : memref<640xf32, #tpu.memory_space<vmem>>) dst(%dma_wait3A_35 : memref<640xf32, #tpu.memory_space<hbm>>)
      tpu.yield
    }) : () -> ()
    return
  }
}

module attributes {stable_mosaic.version = 14 : i64} {
  func.func @_y1_body(%arg0: i32, %arg1: memref<2x1000x1xf32, #tpu.memory_space<vmem>>, %arg2: memref<1000x128xf32, #tpu.memory_space<vmem>>, %arg3: memref<128x128xf32, #tpu.memory_space<vmem>>, %arg4: memref<1000x128xf32, #tpu.memory_space<vmem>>, %arg5: memref<1000x1xf32, #tpu.memory_space<vmem>>) attributes {dimension_semantics = [#tpu.dimension_semantics<arbitrary>], iteration_bounds = array<i64: 10>, scalar_prefetch = 0 : i64, scratch_operands = 0 : i64, tpu.core_type = #tpu.core_type<tc>, window_params = [{transform_indices = @transform_0, window_bounds = array<i64: 2, 1000, 1>}, {transform_indices = @transform_1, window_bounds = array<i64: 1000, 128>}, {pipeline_mode = #tpu.pipeline_mode<synchronous>, transform_indices = @transform_2, window_bounds = array<i64: 128, 128>}, {transform_indices = @transform_3, window_bounds = array<i64: 1000, 128>}, {transform_indices = @transform_4, window_bounds = array<i64: 1000, 1>}]} {
    %get3A = arith.constant 0 : index
    %get3A_0 = arith.constant 0 : index
    %get3A_1 = arith.constant 0 : index
    %get3A_2 = vector.load %arg1[%get3A, %get3A_0, %get3A_1] : memref<2x1000x1xf32, #tpu.memory_space<vmem>>, vector<1x1000x1xf32>
    %get3A_3 = vector.shape_cast %get3A_2 : vector<1x1000x1xf32> to vector<1000x1xf32>
    %get3A_4 = arith.constant 1 : index
    %get3A_5 = arith.constant 0 : index
    %get3A_6 = arith.constant 0 : index
    %get3A_7 = vector.load %arg1[%get3A_4, %get3A_5, %get3A_6] : memref<2x1000x1xf32, #tpu.memory_space<vmem>>, vector<1x1000x1xf32>
    %get3A_8 = vector.shape_cast %get3A_7 : vector<1x1000x1xf32> to vector<1000x1xf32>
    %add3A = arith.addf %get3A_3, %get3A_8 : vector<1000x1xf32>
    %add3A_9 = arith.constant 1.000000e+00 : f32
    %add3A_10 = vector.broadcast %add3A_9 : f32 to vector<1000x1xf32>
    %add3A_11 = arith.addf %add3A, %add3A_10 : vector<1000x1xf32>
    %rsqrt3A = math.rsqrt %add3A_11 : vector<1000x1xf32>
    %get3A_12 = arith.constant 0 : index
    %get3A_13 = arith.constant 0 : index
    %get3A_14 = vector.load %arg2[%get3A_12, %get3A_13] : memref<1000x128xf32, #tpu.memory_space<vmem>>, vector<1000x128xf32>
    %get3A_15 = arith.constant 0 : index
    %get3A_16 = arith.constant 0 : index
    %get3A_17 = vector.load %arg3[%get3A_15, %get3A_16] : memref<128x128xf32, #tpu.memory_space<vmem>>, vector<128x128xf32>
    %dot_general3A = arith.constant dense<0.000000e+00> : vector<1000x128xf32>
    %dot_general3A_18 = tpu.matmul %get3A_14, %get3A_17, %dot_general3A {dimension_numbers = #tpu.dot_dimension_numbers<[1], [0], [0], [1], [0, 0, 1, 1], [], []>, transpose_lhs_hint = false} : vector<1000x128xf32>, vector<128x128xf32>, vector<1000x128xf32> -> vector<1000x128xf32>
    %mul3A = vector.broadcast %rsqrt3A : vector<1000x1xf32> to vector<1000x128xf32>
    %mul3A_19 = arith.mulf %mul3A, %dot_general3A_18 : vector<1000x128xf32>
    %swap3A = arith.constant 0 : index
    %swap3A_20 = arith.constant 0 : index
    %swap3A_21 = vector.load %arg4[%swap3A, %swap3A_20] : memref<1000x128xf32, #tpu.memory_space<vmem>>, vector<1000x128xf32>
    tpu.vector_store %arg4[%swap3A, %swap3A_20], %mul3A_19 {strides = array<i32>} : memref<1000x128xf32, #tpu.memory_space<vmem>>, vector<1000x128xf32>,
    %swap3A_22 = arith.constant 0 : index
    %swap3A_23 = arith.constant 0 : index
    %swap3A_24 = vector.load %arg5[%swap3A_22, %swap3A_23] : memref<1000x1xf32, #tpu.memory_space<vmem>>, vector<1000x1xf32>
    tpu.vector_store %arg5[%swap3A_22, %swap3A_23], %add3A {strides = array<i32>} : memref<1000x1xf32, #tpu.memory_space<vmem>>, vector<1000x1xf32>,
    return
  }
  func.func @transform_0(%arg0: i32) -> (i32, i32, i32) {
    %c0_i32 = arith.constant 0 : i32
    %c0_i32_0 = arith.constant 0 : i32
    %c0_i32_1 = arith.constant 0 : i32
    return %c0_i32, %arg0, %c0_i32_0 : i32, i32, i32
  }
  func.func @transform_1(%arg0: i32) -> (i32, i32) {
    %c0_i32 = arith.constant 0 : i32
    %c0_i32_0 = arith.constant 0 : i32
    return %arg0, %c0_i32 : i32, i32
  }
  func.func @transform_2(%arg0: i32) -> (i32, i32) {
    %c0_i32 = arith.constant 0 : i32
    %c0_i32_0 = arith.constant 0 : i32
    %c0_i32_1 = arith.constant 0 : i32
    return %c0_i32, %c0_i32_0 : i32, i32
  }
  func.func @transform_3(%arg0: i32) -> (i32, i32) {
    %c0_i32 = arith.constant 0 : i32
    %c0_i32_0 = arith.constant 0 : i32
    return %arg0, %c0_i32 : i32, i32
  }
  func.func @transform_4(%arg0: i32) -> (i32, i32) {
    %c0_i32 = arith.constant 0 : i32
    %c0_i32_0 = arith.constant 0 : i32
    return %arg0, %c0_i32 : i32, i32
  }
}

module attributes {stable_mosaic.version = 14 : i64} {
  func.func @_mid_body(%arg0: i32, %arg1: memref<1000x1xf32, #tpu.memory_space<vmem>>, %arg2: memref<2x1000x128xf32, #tpu.memory_space<vmem>>, %arg3: memref<1000x128xf32, #tpu.memory_space<vmem>>, %arg4: memref<1x128xf32, #tpu.memory_space<vmem>>, %arg5: memref<128x128xf32, #tpu.memory_space<vmem>>, %arg6: memref<1000x16xf32, #tpu.memory_space<vmem>>) attributes {dimension_semantics = [#tpu.dimension_semantics<arbitrary>], iteration_bounds = array<i64: 10>, scalar_prefetch = 0 : i64, scratch_operands = 0 : i64, tpu.core_type = #tpu.core_type<tc>, window_params = [{transform_indices = @transform_0, window_bounds = array<i64: 1000, 1>}, {transform_indices = @transform_1, window_bounds = array<i64: 2, 1000, 128>}, {transform_indices = @transform_2, window_bounds = array<i64: 1000, 128>}, {pipeline_mode = #tpu.pipeline_mode<synchronous>, transform_indices = @transform_3, window_bounds = array<i64: 1, 128>}, {pipeline_mode = #tpu.pipeline_mode<synchronous>, transform_indices = @transform_4, window_bounds = array<i64: 128, 128>}, {transform_indices = @transform_5, window_bounds = array<i64: 1000, 16>}]} {
    %get3A = arith.constant 0 : index
    %get3A_0 = arith.constant 0 : index
    %get3A_1 = vector.load %arg1[%get3A, %get3A_0] : memref<1000x1xf32, #tpu.memory_space<vmem>>, vector<1000x1xf32>
    %add3A = arith.constant 1.000000e+00 : f32
    %add3A_2 = vector.broadcast %add3A : f32 to vector<1000x1xf32>
    %add3A_3 = arith.addf %get3A_1, %add3A_2 : vector<1000x1xf32>
    %rsqrt3A = math.rsqrt %add3A_3 : vector<1000x1xf32>
    %get3A_4 = arith.constant 0 : index
    %get3A_5 = arith.constant 0 : index
    %get3A_6 = arith.constant 0 : index
    %get3A_7 = vector.load %arg2[%get3A_4, %get3A_5, %get3A_6] : memref<2x1000x128xf32, #tpu.memory_space<vmem>>, vector<1x1000x128xf32>
    %get3A_8 = vector.shape_cast %get3A_7 : vector<1x1000x128xf32> to vector<1000x128xf32>
    %get3A_9 = arith.constant 1 : index
    %get3A_10 = arith.constant 0 : index
    %get3A_11 = arith.constant 0 : index
    %get3A_12 = vector.load %arg2[%get3A_9, %get3A_10, %get3A_11] : memref<2x1000x128xf32, #tpu.memory_space<vmem>>, vector<1x1000x128xf32>
    %get3A_13 = vector.shape_cast %get3A_12 : vector<1x1000x128xf32> to vector<1000x128xf32>
    %add3A_14 = arith.addf %get3A_8, %get3A_13 : vector<1000x128xf32>
    %get3A_15 = arith.constant 0 : index
    %get3A_16 = arith.constant 0 : index
    %get3A_17 = vector.load %arg3[%get3A_15, %get3A_16] : memref<1000x128xf32, #tpu.memory_space<vmem>>, vector<1000x128xf32>
    %add3A_18 = arith.addf %add3A_14, %get3A_17 : vector<1000x128xf32>
    %mul3A = vector.broadcast %rsqrt3A : vector<1000x1xf32> to vector<1000x128xf32>
    %mul3A_19 = arith.mulf %mul3A, %add3A_18 : vector<1000x128xf32>
    %get3A_20 = arith.constant 0 : index
    %get3A_21 = arith.constant 0 : index
    %get3A_22 = vector.load %arg4[%get3A_20, %get3A_21] : memref<1x128xf32, #tpu.memory_space<vmem>>, vector<1x128xf32>
    %add3A_23 = vector.broadcast %get3A_22 : vector<1x128xf32> to vector<1000x128xf32>
    %add3A_24 = arith.addf %mul3A_19, %add3A_23 : vector<1000x128xf32>
    %max3A = arith.constant 0.000000e+00 : f32
    %max3A_25 = vector.broadcast %max3A : f32 to vector<1000x128xf32>
    %max3A_26 = arith.maximumf %add3A_24, %max3A_25 : vector<1000x128xf32>
    %get3A_27 = arith.constant 0 : index
    %get3A_28 = arith.constant 0 : index
    %get3A_29 = vector.load %arg5[%get3A_27, %get3A_28] : memref<128x128xf32, #tpu.memory_space<vmem>>, vector<128x128xf32>
    %dot_general3A = arith.constant dense<0.000000e+00> : vector<1000x128xf32>
    %dot_general3A_30 = tpu.matmul %max3A_26, %get3A_29, %dot_general3A {dimension_numbers = #tpu.dot_dimension_numbers<[1], [0], [0], [1], [0, 0, 1, 1], [], []>, transpose_lhs_hint = false} : vector<1000x128xf32>, vector<128x128xf32>, vector<1000x128xf32> -> vector<1000x128xf32>
    %mul3A_31 = vector.broadcast %rsqrt3A : vector<1000x1xf32> to vector<1000x128xf32>
    %mul3A_32 = arith.mulf %mul3A_31, %dot_general3A_30 : vector<1000x128xf32>
    %slice3A = vector.extract_strided_slice %mul3A_32 {offsets = [0, 0], sizes = [1000, 16], strides = [1, 1]} : vector<1000x128xf32> to vector<1000x16xf32>
    %swap3A = arith.constant 0 : index
    %swap3A_33 = arith.constant 0 : index
    %swap3A_34 = vector.load %arg6[%swap3A, %swap3A_33] : memref<1000x16xf32, #tpu.memory_space<vmem>>, vector<1000x16xf32>
    tpu.vector_store %arg6[%swap3A, %swap3A_33], %slice3A {strides = array<i32>} : memref<1000x16xf32, #tpu.memory_space<vmem>>, vector<1000x16xf32>,
    return
  }
  func.func @transform_0(%arg0: i32) -> (i32, i32) {
    %c0_i32 = arith.constant 0 : i32
    %c0_i32_0 = arith.constant 0 : i32
    return %arg0, %c0_i32 : i32, i32
  }
  func.func @transform_1(%arg0: i32) -> (i32, i32, i32) {
    %c0_i32 = arith.constant 0 : i32
    %c0_i32_0 = arith.constant 0 : i32
    %c0_i32_1 = arith.constant 0 : i32
    return %c0_i32, %arg0, %c0_i32_0 : i32, i32, i32
  }
  func.func @transform_2(%arg0: i32) -> (i32, i32) {
    %c0_i32 = arith.constant 0 : i32
    %c0_i32_0 = arith.constant 0 : i32
    return %arg0, %c0_i32 : i32, i32
  }
  func.func @transform_3(%arg0: i32) -> (i32, i32) {
    %c0_i32 = arith.constant 0 : i32
    %c0_i32_0 = arith.constant 0 : i32
    %c0_i32_1 = arith.constant 0 : i32
    return %c0_i32, %c0_i32_0 : i32, i32
  }
  func.func @transform_4(%arg0: i32) -> (i32, i32) {
    %c0_i32 = arith.constant 0 : i32
    %c0_i32_0 = arith.constant 0 : i32
    %c0_i32_1 = arith.constant 0 : i32
    return %c0_i32, %c0_i32_0 : i32, i32
  }
  func.func @transform_5(%arg0: i32) -> (i32, i32) {
    %c0_i32 = arith.constant 0 : i32
    %c0_i32_0 = arith.constant 0 : i32
    return %arg0, %c0_i32 : i32, i32
  }
}

module attributes {stable_mosaic.version = 14 : i64} {
  func.func @_fin_body(%arg0: i32, %arg1: memref<1000x1xf32, #tpu.memory_space<vmem>>, %arg2: memref<2x1000x16xf32, #tpu.memory_space<vmem>>, %arg3: memref<1000x16xf32, #tpu.memory_space<vmem>>, %arg4: memref<1x16xf32, #tpu.memory_space<vmem>>, %arg5: memref<1000x16xf32, #tpu.memory_space<vmem>>) attributes {dimension_semantics = [#tpu.dimension_semantics<arbitrary>], iteration_bounds = array<i64: 10>, scalar_prefetch = 0 : i64, scratch_operands = 0 : i64, tpu.core_type = #tpu.core_type<tc>, window_params = [{transform_indices = @transform_0, window_bounds = array<i64: 1000, 1>}, {transform_indices = @transform_1, window_bounds = array<i64: 2, 1000, 16>}, {transform_indices = @transform_2, window_bounds = array<i64: 1000, 16>}, {pipeline_mode = #tpu.pipeline_mode<synchronous>, transform_indices = @transform_3, window_bounds = array<i64: 1, 16>}, {transform_indices = @transform_4, window_bounds = array<i64: 1000, 16>}]} {
    %get3A = arith.constant 0 : index
    %get3A_0 = arith.constant 0 : index
    %get3A_1 = vector.load %arg1[%get3A, %get3A_0] : memref<1000x1xf32, #tpu.memory_space<vmem>>, vector<1000x1xf32>
    %add3A = arith.constant 1.000000e+00 : f32
    %add3A_2 = vector.broadcast %add3A : f32 to vector<1000x1xf32>
    %add3A_3 = arith.addf %get3A_1, %add3A_2 : vector<1000x1xf32>
    %rsqrt3A = math.rsqrt %add3A_3 : vector<1000x1xf32>
    %get3A_4 = arith.constant 0 : index
    %get3A_5 = arith.constant 0 : index
    %get3A_6 = arith.constant 0 : index
    %get3A_7 = vector.load %arg2[%get3A_4, %get3A_5, %get3A_6] : memref<2x1000x16xf32, #tpu.memory_space<vmem>>, vector<1x1000x16xf32>
    %get3A_8 = vector.shape_cast %get3A_7 : vector<1x1000x16xf32> to vector<1000x16xf32>
    %get3A_9 = arith.constant 1 : index
    %get3A_10 = arith.constant 0 : index
    %get3A_11 = arith.constant 0 : index
    %get3A_12 = vector.load %arg2[%get3A_9, %get3A_10, %get3A_11] : memref<2x1000x16xf32, #tpu.memory_space<vmem>>, vector<1x1000x16xf32>
    %get3A_13 = vector.shape_cast %get3A_12 : vector<1x1000x16xf32> to vector<1000x16xf32>
    %add3A_14 = arith.addf %get3A_8, %get3A_13 : vector<1000x16xf32>
    %get3A_15 = arith.constant 0 : index
    %get3A_16 = arith.constant 0 : index
    %get3A_17 = vector.load %arg3[%get3A_15, %get3A_16] : memref<1000x16xf32, #tpu.memory_space<vmem>>, vector<1000x16xf32>
    %add3A_18 = arith.addf %add3A_14, %get3A_17 : vector<1000x16xf32>
    %mul3A = vector.broadcast %rsqrt3A : vector<1000x1xf32> to vector<1000x16xf32>
    %mul3A_19 = arith.mulf %mul3A, %add3A_18 : vector<1000x16xf32>
    %get3A_20 = arith.constant 0 : index
    %get3A_21 = arith.constant 0 : index
    %get3A_22 = vector.load %arg4[%get3A_20, %get3A_21] : memref<1x16xf32, #tpu.memory_space<vmem>>, vector<1x16xf32>
    %add3A_23 = vector.broadcast %get3A_22 : vector<1x16xf32> to vector<1000x16xf32>
    %add3A_24 = arith.addf %mul3A_19, %add3A_23 : vector<1000x16xf32>
    %swap3A = arith.constant 0 : index
    %swap3A_25 = arith.constant 0 : index
    %swap3A_26 = vector.load %arg5[%swap3A, %swap3A_25] : memref<1000x16xf32, #tpu.memory_space<vmem>>, vector<1000x16xf32>
    tpu.vector_store %arg5[%swap3A, %swap3A_25], %add3A_24 {strides = array<i32>} : memref<1000x16xf32, #tpu.memory_space<vmem>>, vector<1000x16xf32>,
    return
  }
  func.func @transform_0(%arg0: i32) -> (i32, i32) {
    %c0_i32 = arith.constant 0 : i32
    %c0_i32_0 = arith.constant 0 : i32
    return %arg0, %c0_i32 : i32, i32
  }
  func.func @transform_1(%arg0: i32) -> (i32, i32, i32) {
    %c0_i32 = arith.constant 0 : i32
    %c0_i32_0 = arith.constant 0 : i32
    %c0_i32_1 = arith.constant 0 : i32
    return %c0_i32, %arg0, %c0_i32_0 : i32, i32, i32
  }
  func.func @transform_2(%arg0: i32) -> (i32, i32) {
    %c0_i32 = arith.constant 0 : i32
    %c0_i32_0 = arith.constant 0 : i32
    return %arg0, %c0_i32 : i32, i32
  }
  func.func @transform_3(%arg0: i32) -> (i32, i32) {
    %c0_i32 = arith.constant 0 : i32
    %c0_i32_0 = arith.constant 0 : i32
    %c0_i32_1 = arith.constant 0 : i32
    return %c0_i32, %c0_i32_0 : i32, i32
  }
  func.func @transform_4(%arg0: i32) -> (i32, i32) {
    %c0_i32 = arith.constant 0 : i32
    %c0_i32_0 = arith.constant 0 : i32
    return %arg0, %c0_i32 : i32, i32
  }
}

</mosaic_0001>

<sc_bundles>
// kernel: kernel.11.cloned.1.call-start
scs
__scs_entry_jumppad:
0x0: {  	(pc) =	sbr.rel $0x88, $3  }
0x1: {  	(tag) =	ssettag $0x0;
	lr =	simm.s32 $0x1  }
0x2: {  	[smem:$0x3F9B] =	sst lr;
	_ =	strace $0xD0000000  }
0x3: {  	_ = 	snop  }
0x4: {  	_ = 	snop  }
0x5: {  	_ = 	snop  }
0x6: {  	_ = 	snop  }
0x7: {  	_ = 	snop  }
__scs_overlays_trampoline_lowered:
0x8: {  	[smem:$0x3FAA] =	sst s0  }
0x9: {  	[smem:$0x3FAB] =	sst s1  }
0xa: {  	[smem:$0x3FAC] =	sst s2  }
0xb: {  	[smem:$0x3FAD] =	sst s3  }
0xc: {  	[smem:$0x3FAE] =	sst s4  }
0xd: {  	[smem:$0x3FAF] =	sst s5  }
0xe: {  	[smem:$0x3FB0] =	sst s6  }
0xf: {  	[smem:$0x3FB1] =	sst s7  }
0x10: {  	[smem:$0x3FB2] =	sst s8  }
0x11: {  	[smem:$0x3FB3] =	sst s9;
	s0 =	simm.s32 @!p0 $0x0  }
0x12: {  	s1 =	sld [smem:$0x3F99];
	s0 =	simm.s32 @p0 $0x1  }
0x13: {  	[smem:$0x3FB4] =	sst s0;
	s0 =	simm.s32 @!p1 $0x0  }
0x14: {  	s2 =	sld [smem:$0x3F98];
	s0 =	simm.s32 @p1 $0x1  }
0x15: {  	[smem:$0x3FB5] =	sst s0;
	s0 =	simm.s32 @!p2 $0x0  }
0x16: {  	s3 =	sld [smem:$0x3FDB];
	s0 =	simm.s32 @p2 $0x1  }
0x17: {  	s4 =	simm.s32 $0x1BF5;
	[smem:$0x3FB7] =	sst s0  }
0x18: {  	s0 =	sld [smem:$0x3F9A];
	_ =	swait.ge [sflag:s4], $0x0  }
0x19: {  	s7 =	sld [smem:$0x3F9B]  }
0x1a: {  	s8 =	sadd.s32 $0xFFFFE003, lr  }
0x1b: {  	s9 =	sadd.s32 $0xFFFFFEF7, lr;
	s5 =	simm.s32 $0xFFFFFFFF;
	p2 =	slt.u32 s8, $0xFFFFF086  }
0x1c: {  	p1 =	slt.u32 s9, $0xF7A;
	s5 =	simm.s32 @!p2 $0x0  }
0x1d: {  	s5 =	simm.s32 @p1 $0x1;
	p0 =	seq.s32 s7, s2  }
0x1e: {  	s7 =	smul.u32 @!p0 $0xF7A, s2;
	p2 =	seq.s32 @!p0 s5, $0x0  }
0x1f: {  	s9 =	smul.u32 $0xF7A, s1;
	s8 =	simm.s32 @!p0 $0x1BF5;
	p2 =	por !p2, p0  }
0x20: {  	[sflag:s8] =	ssyncset.s32 @!p0 $0xFFFFF086;
	s6 =	sadd.s32 @!p0 s3, s7;
	s7 =	simm.s32 @!p0 $0x108  }
0x21: {  	s3 =	sadd.s32 s3, s9;
	s6 =	sadd.s32 @!p0 $0x88, s6;
	s7 =	simm.s32 @p2 $0x1082  }
0x22: {  	[simem:s7], [sflag:s8] =	dma.local @!p0 [hbm:s6], $0xF7A  }
0x23: {  	s9 =	sor.u32 $0xD0000000, s2;
	s6 =	simm.s32 $0x108;
	_ =	swait.ge @!p0 [sflag:s8], $0x0  }
0x24: {  	s3 =	sadd.s32 $0x88, s3;
	s6 =	simm.s32 @!p1 $0x1082;
	[sflag:s4] =	ssyncset.s32 $0xFFFFF086  }
0x25: {  	[simem:s6], [sflag:s4] =	dma.local [hbm:s3], $0xF7A  }
0x26: {  	[smem:$0x3F9B] =	sst s1;
	(tag) =	ssettag s2;
	_ =	strace s9  }
0x27: {  	s1 =	sld [smem:$0x3FAB]  }
0x28: {  	s2 =	sld [smem:$0x3FAC]  }
0x29: {  	s4 =	sld [smem:$0x3FAE]  }
0x2a: {  	p0 =	seq.s32 s5, $0x0;
	s5 =	sld [smem:$0x3FAF]  }
0x2b: {  	s6 =	sld [smem:$0x3FB0]  }
0x2c: {  	s7 =	sld [smem:$0x3FB1]  }
0x2d: {  	s3 =	simm.s32 $0x108;
	s8 =	sld [smem:$0x3FB2]  }
0x2e: {  	s3 =	simm.s32 @!p0 $0x1082;
	s9 =	sld [smem:$0x3FB3]  }
0x2f: {  	lr =	sadd.s32 s0, s3;
	s0 =	sld [smem:$0x3FAA]  }
0x30: {  	s3 =	sld [smem:$0x3FAD]  }
0x31: {  	[smem:$0x3FB6] =	sst s10  }
0x32: {  	s10 =	sld [smem:$0x3FB4];
	_ =	sdelay $0x3  }
0x33: {  	p0 =	seq.s32 s10, $0x1;
	s10 =	sld [smem:$0x3FB6];
	_ =	sdelay $0x3  }
0x34: {  	[smem:$0x3FB6] =	sst s10  }
0x35: {  	s10 =	sld [smem:$0x3FB5];
	_ =	sdelay $0x3  }
0x36: {  	p1 =	seq.s32 s10, $0x1;
	s10 =	sld [smem:$0x3FB6];
	_ =	sdelay $0x3  }
0x37: {  	[smem:$0x3FB6] =	sst s10  }
0x38: {  	s10 =	sld [smem:$0x3FB7]  }
0x39: {  	_ = 	snop;
	(pc) =	sbr.ind lr, $3  }
0x3a: {  	_ = 	snop  }
0x3b: {  	_ = 	snop  }
0x3c: {  	p2 =	seq.s32 s10, $0x1;
	s10 =	sld [smem:$0x3FB6]  }
0x3d: {  	_ =	shalt  }
0x3e: {  	_ =	shalt  }
0x3f: {  	_ =	shalt  }
0x40: {  	_ =	shalt  }
0x41: {  	_ =	shalt  }
0x42: {  	_ =	shalt  }
0x43: {  	_ =	shalt  }
0x44: {  	_ =	shalt  }
0x45: {  	_ =	shalt  }
0x46: {  	_ =	shalt  }
0x47: {  	_ =	shalt  }
0x48: {  	_ =	shalt  }
0x49: {  	_ =	shalt  }
0x4a: {  	_ =	shalt  }
0x4b: {  	_ =	shalt  }
0x4c: {  	_ =	shalt  }
0x4d: {  	_ =	shalt  }
0x4e: {  	_ =	shalt  }
0x4f: {  	_ =	shalt  }
0x50: {  	_ =	shalt  }
0x51: {  	_ =	shalt  }
0x52: {  	_ =	shalt  }
0x53: {  	_ =	shalt  }
0x54: {  	_ =	shalt  }
0x55: {  	_ =	shalt  }
0x56: {  	_ =	shalt  }
0x57: {  	_ =	shalt  }
0x58: {  	_ =	shalt  }
0x59: {  	_ =	shalt  }
0x5a: {  	_ =	shalt  }
0x5b: {  	_ =	shalt  }
0x5c: {  	_ =	shalt  }
0x5d: {  	_ =	shalt  }
0x5e: {  	_ =	shalt  }
0x5f: {  	_ =	shalt  }
0x60: {  	_ =	shalt  }
0x61: {  	_ =	shalt  }
0x62: {  	_ =	shalt  }
0x63: {  	_ =	shalt  }
0x64: {  	_ =	shalt  }
0x65: {  	_ =	shalt  }
0x66: {  	_ =	shalt  }
0x67: {  	_ =	shalt  }
0x68: {  	_ =	shalt  }
0x69: {  	_ =	shalt  }
0x6a: {  	_ =	shalt  }
0x6b: {  	_ =	shalt  }
0x6c: {  	_ =	shalt  }
0x6d: {  	_ =	shalt  }
0x6e: {  	_ =	shalt  }
0x6f: {  	_ =	shalt  }
0x70: {  	_ =	shalt  }
0x71: {  	_ =	shalt  }
0x72: {  	_ =	shalt  }
0x73: {  	_ =	shalt  }
0x74: {  	_ =	shalt  }
0x75: {  	_ =	shalt  }
0x76: {  	_ =	shalt  }
0x77: {  	_ =	shalt  }
0x78: {  	_ =	shalt  }
0x79: {  	_ =	shalt  }
0x7a: {  	_ =	shalt  }
0x7b: {  	_ =	shalt  }
0x7c: {  	_ =	shalt  }
0x7d: {  	_ =	shalt  }
0x7e: {  	_ =	shalt  }
0x7f: {  	_ =	shalt  }
0x80: {  	_ =	shalt  }
0x81: {  	_ =	shalt  }
0x82: {  	_ =	shalt  }
0x83: {  	_ =	shalt  }
0x84: {  	_ =	shalt  }
0x85: {  	_ =	shalt  }
0x86: {  	_ =	shalt  }
0x87: {  	_ =	shalt  }
.Lfunc_end0:
.L_simem_size_0:
called_computation.1_lowered:
.L_overlay_start_0:
0x88: {  	s2 =	sld [smem:$0x3FD9]  }
0x89: {  	s3 =	sld [smem:$0x3FFE];
	_ =	sdelay $0x1  }
0x8a: {  	s1 =	srdreg.scid  }
0x8b: {  	s0 =	sand.u32 $0x1, s1  }
0x8c: {  	s16 =	sshll.u32 s0, $0xA;
	s2 =	sadd.s32 s3, s2  }
0x8d: {  	s2 =	sadd.s32 s2, s16  }
0x8e: {  	[smem:$0x3FC2] =	sst s2  }
0x8f: {  	_ = 	snop  }
0x90: {  	(tm) =	ssettm $0x1  }
0x91: {  	s17 =	sld [smem:$0x3FFB];
	_ =	sdelay $0x3  }
0x92: {  	_ =	strace s17  }
0x93: {  	s2 =	sld [smem:$0x3FFC];
	_ =	sdelay $0x3  }
0x94: {  	_ =	strace s2  }
0x95: {  	s2 =	sld [smem:$0x3FFD];
	_ =	sdelay $0x3  }
0x96: {  	_ =	strace s2  }
0x97: {  	_ =	strace $0x8FFFFFFF  }
0x98: {  	s18 =	sld [smem:$0x3FDB];
	_ =	sdelay $0x1  }
0x99: {  	s19 =	simm.s32 $_scs_section_size  }
0x9a: {  	s4 =	simm.s32 $_size__tile_overlayer_lowered;
	s5 =	simm.s32 $_tile_overlayer_lowered  }
0x9b: {  	s22 =	simm.s32 $0x1BFF;
	s21 =	sshll.u32 s5, $0x1;
	s2 =	sadd.s32 s19, s18  }
0x9c: {  	s6 =	simm.s32 $0x0;
	s20 =	sshll.u32 s4, $0x1;
	s4 =	sadd.s32 s21, s2  }
0x9d: {  	[timem:s6], [sflag:s22] =	dma.local [hbm:s4], s20  }
0x9e: {  	_ =	swait.ge [sflag:s22], s20  }
0x9f: {  	s3 =	ssub.s32 $0x0, s20;
	[sflag:s22] =	ssyncset.done $0x0  }
0xa0: {  	[sflag:s22] =	ssyncadd.s32 s3;
	_ =	sdelay $0x1  }
0xa1: {  	s23 =	simm.s32 $0x1B8B  }
0xa2: {  	_ =	swait.ge [sflag:s23], $0x1  }
0xa3: {  	[sflag:s23] =	ssyncset.done $0x0  }
0xa4: {  	s25 =	simm.s32 $0x1B8E;
	s24 =	sld [smem:$0x3FFE];
	[sflag:s23] =	ssyncadd.s32 $0xFFFFFFFF  }
0xa5: {  	s26 =	simm.s32 $execute0_lowered;
	[smem:$0x3FD2] =	sst s25  }
0xa6: {  	s4 =	sshll.u32 s26, $0x1;
	_ =	strace $0x80000049;
	[dreg:$0x1] =	wrdreg $0xFFFFFFFF  }
0xa7: {  	s28 =	simm.s32 $_size_execute0_lowered;
	s2 =	sadd.s32 s2, s4;
	[dreg:$0x0] =	wrdreg $0x0  }
0xa8: {  	s4 =	sshll.u32 s28, $0x1;
	[dreg:$0x2] =	wrdreg s2  }
0xa9: {  	[dreg:$0x3] =	wrdreg s4  }
0xaa: {  	[dreg:$0x4] =	wrdreg $0xC0  }
0xab: {  	_ =	task [dreg:s6], $0x5FFFF  }
0xac: {  	[dreg:$0x1] =	wrdreg $0xFFFFFFFF  }
0xad: {  	[dreg:$0x0] =	wrdreg $0x60  }
0xae: {  	[dreg:$0x2] =	wrdreg s24  }
0xaf: {  	[dreg:$0x3] =	wrdreg $0xBA300  }
0xb0: {  	[dreg:$0x4] =	wrdreg $0x9  }
0xb1: {  	_ =	task.clear_ibuf [dreg:s6], $0x5FFFF;
	_ =	strace $0x90000049  }
0xb2: {  	s29 =	simm.s32 $0x9;
	_ =	strace $0x8000004B  }
0xb3: {  	_ =	swait.ge [sflag:s29], $0x1  }
0xb4: {  	[sflag:s29] =	ssyncadd.s32 $0xFFFFFFFF  }
0xb5: {  	_ =	strace $0x9000004B  }
0xb6: {  	_ =	sfence  }
0xb7: {  	s30 =	sld [smem:$0x0];
	_ =	sdelay $0x2  }
0xb8: {  	s31 =	sshll.u32 s1, $0xD;
	s1 =	sshrl.u32 s1, $0x2  }
0xb9: {  	s3 =	sand.u32 $0x4000, s31;
	s1 =	sadd.s32 s1, s30  }
0xba: {  	s0 =	sor.u32 s3, s0;
	s1 =	sshll.u32 s1, $0x11  }
0xbb: {  	s0 =	sor.u32 s1, s0  }
0xbc: {  	s0 =	sadd.s32 $0x8F2B, s0  }
0xbd: {  	[sflag:s0] =	ssyncadd.remote.s32 $0x1  }
0xbe: {  	_ =	sfence.sel $0xFFFF  }
0xbf: {  	[dreg:$0x0] =	wrdreg $0xFFFFFFFF;
	(pc) =	sbr.abs _section_cstart, $3  }
0xc0: {  	[dreg:$0x1] =	wrdreg $0xFFFFFFFF  }
0xc1: {  	_ =	task.clear_ibuf [dreg:s6], $0x2FFFF;
	_ =	strace $0x9FFFFFFF  }
0xc2: {  	(tm) =	ssettm $0x7FFFFFFF  }
0xc3: {  	_ =	shalt  }
tec
execute0_lowered:
.L_overlay_start_1:
0x0: {  	(tag) =	ssettag $0x1  }
0x1: {  	s1 =	srdreg.scid;
	s6 =	rddreg [dreg:$0x0]  }
0x2: {  	s0 =	stileid.u32;
	s2 =	rddreg [dreg:$0x1]  }
0x3: {  	s3 =	simm.s32 $0x0;
	s14 =	simm.s32 $0x4E30;
	s15 =	simm.s32 $0x7230  }
0x4: {  	s16 =	simm.s32 $0x4;
	s17 =	simm.s32 $0x5;
	s18 =	simm.s32 $0x6  }
0x5: {  	s19 =	simm.s32 $0x0;
	s5 =	sand.u32 $0x1, s1;
	s26 =	sshll.u32 s0, $0x1  }
0x6: {  	s8 =	smul.u32 $0x14000, s0;
	[smem:$0x7FF] =	sst s3;
	s4 =	sadd.s32 $0x1FC00, s6  }
0x7: {  	s31 =	sshll.u32 s0, $0x6;
	s1 =	sor.u32 s5, s26;
	s9 =	smul.u32 $0x140000, s5  }
0x8: {  	_ =	strace $0x8000004A;
	s5 =	ssub.s32 $0x2, s5;
	s7 =	smul.u32 $0x4E3, s1  }
0x9: {  	s29 =	sshrl.u32 s8, $0x3;
	s30 =	sshrl.u32 s5, $0x1;
	s13 =	sadd.s32 s8, s2  }
0xa: {  	s28 =	sadd.s32 s8, s9;
	s9 =	sadd.s32 s29, s6;
	s12 =	ssub.s32 s5, s30  }
0xb: {  	s10 =	sadd.s32 s7, s6;
	s7 =	sshrl.u32 s28, $0x3;
	s5 =	sadd.s32 $0x46E00, s9  }
0xc: {  	s11 =	sadd.s32 s7, s6;
	s6 =	sor.u32 $0x1C07, s31;
	s7 =	sadd.s32 $0x15E00, s10  }
0xd: {  	s8 =	sadd.s32 $0xC000, s10;
	s10 =	smax.u32 s12, $0x1;
	s12 =	simm.s32 $0x7  }
0xe: {  	s9 =	sadd.s32 $0x6EE00, s11;
	s11 =	sshrl.u32 s13, $0x3;
	s13 =	simm.s32 $0x48  }
.LBB2_1:
0xf: {  	[spmem:s11], [sflag:s6] =	dma.local [hbm:s5], $0x2800  }
0x10: {  	_ =	swait.ge [sflag:s12], $0x2800  }
0x11: {  	[sflag:s12] =	ssyncset.done $0x0  }
0x12: {  	s20 =	smul.u32 $0xAB, s3;
	[sflag:s12] =	ssyncadd.s32 $0xFFFFD800  }
0x13: {  	[tilespmem:s3], [sflag:$0x7] =	stream.linear.gather [hbm4b:s7+s3], $0x2718, $0x38;
	[tilespmem:$0x1FA30] =	vst v63  }
0x14: {  	s21 =	simm.s32 $0x2718;
	s22 =	simm.s32 $0x2;
	_ =	swait.ge [sflag:s12], $0x2718  }
0x15: {  	p0 =	por $0x0, $0x0;
	s20 =	sshrl.u32 s20, $0x9;
	[sflag:s12] =	ssyncset.done $0x0  }
0x16: {  	s22 =	smul.u32 @!p0 $0xAB, s22;
	s20 =	sand.u32 $0x7F, s20;
	[sflag:s12] =	ssyncadd.s32 $0xFFFFD8E8  }
0x17: {  	[tilespmem:s21], [sflag:$0x7] =	stream.linear.gather [hbm4b:s8+s3], $0x2718, $0x38;
	[tilespmem:$0x1FA30] =	vst v63  }
0x18: {  	s25 =	simm.s32 $0x90;
	s24 =	smul.u32 $0x3, s20;
	_ =	swait.ge [sflag:s12], $0x2718  }
0x19: {  	p1 =	por @!p0 $0x1, $0x1;
	s22 =	sshrl.u32 @!p0 s22, $0x9;
	[sflag:s12] =	ssyncset.done $0x0  }
0x1a: {  	s22 =	sand.u32 @!p0 $0x7F, s22;
	s26 =	ssub.s32 $0x0, s24;
	[sflag:s12] =	ssyncadd.s32 $0xFFFFD8E8  }
0x1b: {  	s22 =	smul.u32 @!p0 $0x3, s22;
	s26 =	sand.u32 $0xFF, s26;
	[bflag:$0x0] =	sbarrier.arrive $0xFFFF  }
0x1c: {  	[tilespmem:s14], [sflag:$0x1] =	stream.indirect.gather [hbm4b:s4+s13], $0x80, s3, s13, $0xb8;
	[tilespmem:$0x1FA30] =	vst v63  }
0x1d: {  	s20 =	simm.s32 $0x1;
	s28 =	sadd.s32 $0x1, s26;
	s29 =	smul.u32 $0x9000, s26  }
0x1e: {  	[tilespmem:s15], [sflag:$0x2] =	stream.indirect.gather [hbm4b:s4+s13], $0x80, s13, s13, $0xb8;
	[tilespmem:$0x1FA30] =	vst v63  }
0x1f: {  	p1 =	por p1, p0;
	s23 =	smul.u32 $0xAB, s20;
	_ =	swait.ge [sflag:s28], $0x2400  }
0x20: {  	s22 =	ssub.s32 @!p0 $0x2, s22;
	s29 =	sshrl.u32 s29, $0x2;
	[sflag:s28] =	ssyncset.done $0x0  }
0x21: {  	s26 =	sor.u32 $0x4, s26;
	s29 =	sadd.s32 $0x4E30, s29;
	[sflag:s28] =	ssyncadd.s32 $0xFFFFDC00  }
0x22: {  	[spmem:s2] =	stream.indirect.scatter.add.f32 [tilespmem:s29], [sflag:s26], $0x80, s21, s13, $0xb8;
	[tilespmem:$0x1FA30] =	vst v63  }
0x23: {  	s24 =	simm.s32 $0x2;
	s21 =	sand.u32 @!p0 $0xFF, s22;
	s22 =	simm.s32 $0x2760  }
0x24: {  	s29 =	simm.s32 @!p0 $0x48;
	s28 =	sadd.s32 @!p1 $0x4, s21;
	s30 =	smul.u32 @!p0 $0x9000, s21  }
0x25: {  	s26 =	sadd.s32 @!p0 $0x1, s21;
	s21 =	simm.s32 $0xD8;
	_ =	swait.ge @!p1 [sflag:s28], $0x2400  }
.LBB2_2:
0x26: {  	s31 =	sshrl.u32 s23, $0x9  }
0x27: {  	[sflag:s28] =	ssyncset.done @!p1 $0x0;
	s30 =	sshrl.u32 @!p0 s30, $0x2;
	s1 =	smov.u32 s24  }
0x28: {  	s23 =	smul.u32 $0xAB, s24;
	[sflag:s28] =	ssyncadd.s32 @!p1 $0xFFFFDC00;
	s28 =	sadd.s32 @!p0 $0x4E30, s30  }
0x29: {  	[tilespmem:s28], [sflag:s26] =	stream.indirect.gather @!p0 [hbm4b:s4+s29], $0x80, s25, s29, $0xb8;
	[tilespmem:$0x1FA30] =	vst v63  }
0x2a: {  	s24 =	sadd.s32 $0x1, s24;
	s25 =	sand.u32 $0x7F, s31  }
0x2b: {  	s26 =	sadd.s32 $0x2, s20;
	p0 =	sgt.u32 s20, $0x88;
	s28 =	smul.u32 $0x3, s25  }
0x2c: {  	p2 =	sne.s32 s24, $0x8B;
	s29 =	smul.u32 @!p0 $0xAB, s26  }
0x2d: {  	p1 =	seq.s32 @!p0 s20, $0x0;
	s25 =	smov.u32 s21;
	s28 =	ssub.s32 s20, s28  }
0x2e: {  	s20 =	smov.u32 s1;
	s1 =	sand.u32 $0xFF, s28  }
0x2f: {  	s28 =	sshrl.u32 @!p0 s29, $0x9;
	s30 =	smul.u32 $0x9000, s1  }
0x30: {  	p1 =	por p1, p0;
	s29 =	sadd.s32 $0x1, s1;
	s28 =	sand.u32 @!p0 $0x7F, s28  }
0x31: {  	s28 =	smul.u32 @!p0 $0x3, s28;
	_ =	swait.ge [sflag:s29], $0x2400;
	s30 =	sshrl.u32 s30, $0x2  }
0x32: {  	s1 =	sor.u32 $0x4, s1;
	[sflag:s29] =	ssyncset.done $0x0;
	s30 =	sadd.s32 $0x4E30, s30  }
.Ltmp0:
0x33: {  	s26 =	ssub.s32 @!p0 s26, s28;
	[sflag:s29] =	ssyncadd.s32 $0xFFFFDC00;
	(pc) =	sbr.rel @p2 .LBB2_2-.Ltmp0, $4  }
0x34: {  	[spmem:s2] =	stream.indirect.scatter.add.f32 [tilespmem:s30], [sflag:s1], $0x80, s22, s13, $0xb8;
	[tilespmem:$0x1FA30] =	vst v63  }
0x35: {  	s1 =	sand.u32 @!p0 $0xFF, s26;
	s22 =	sadd.s32 $0x48, s22  }
0x36: {  	s28 =	sadd.s32 @!p1 $0x4, s1;
	s30 =	smul.u32 @!p0 $0x9000, s1;
	s26 =	sadd.s32 @!p0 $0x1, s1  }
0x37: {  	s21 =	sadd.s32 $0x48, s21;
	s29 =	simm.s32 @!p0 $0x48;
	_ =	swait.ge @!p1 [sflag:s28], $0x2400  }
0x38: {  	[sflag:s28] =	ssyncset.done @!p1 $0x0;
	s1 =	sshrl.u32 @!p0 s30, $0x2;
	s23 =	sshrl.u32 s23, $0x9  }
0x39: {  	[sflag:s28] =	ssyncadd.s32 @!p1 $0xFFFFDC00;
	s1 =	sadd.s32 @!p0 $0x4E30, s1;
	s28 =	sand.u32 $0x7F, s23  }
0x3a: {  	[tilespmem:s1], [sflag:s26] =	stream.indirect.gather @!p0 [hbm4b:s4+s29], $0x80, s25, s29, $0xb8;
	[tilespmem:$0x1FA30] =	vst v63  }
0x3b: {  	s23 =	sadd.s32 $0x2, s20;
	s1 =	smul.u32 $0x3, s28;
	p0 =	sgt.u32 s20, $0x88  }
0x3c: {  	s24 =	smul.u32 @!p0 $0xAB, s23  }
0x3d: {  	s1 =	ssub.s32 s20, s1  }
0x3e: {  	s1 =	sand.u32 $0xFF, s1;
	s24 =	sshrl.u32 @!p0 s24, $0x9  }
0x3f: {  	s29 =	sadd.s32 $0x1, s1;
	s30 =	smul.u32 $0x9000, s1;
	s24 =	sand.u32 @!p0 $0x7F, s24  }
0x40: {  	p1 =	seq.s32 @!p0 s20, $0x0;
	_ =	swait.ge [sflag:s29], $0x2400;
	s20 =	smul.u32 @!p0 $0x3, s24  }
0x41: {  	s1 =	sor.u32 $0x4, s1;
	s31 =	sshrl.u32 s30, $0x2;
	[sflag:s29] =	ssyncset.done $0x0  }
0x42: {  	s24 =	sadd.s32 $0x4E30, s31;
	[sflag:s29] =	ssyncadd.s32 $0xFFFFDC00;
	s20 =	ssub.s32 @!p0 s23, s20  }
0x43: {  	[spmem:s2] =	stream.indirect.scatter.add.f32 [tilespmem:s24], [sflag:s1], $0x80, s22, s13, $0xb8;
	[tilespmem:$0x1FA30] =	vst v63  }
0x44: {  	p1 =	por p1, p0;
	s1 =	sand.u32 @!p0 $0xFF, s20  }
0x45: {  	s20 =	sadd.s32 @!p1 $0x4, s1;
	s22 =	smul.u32 @!p0 $0x9000, s1  }
0x46: {  	_ =	swait.ge @!p1 [sflag:s20], $0x2400  }
0x47: {  	s23 =	simm.s32 @!p0 $0x48;
	[sflag:s20] =	ssyncset.done @!p1 $0x0;
	s22 =	sshrl.u32 @!p0 s22, $0x2  }
0x48: {  	s1 =	sadd.s32 @!p0 $0x1, s1;
	[sflag:s20] =	ssyncadd.s32 @!p1 $0xFFFFDC00;
	s20 =	sadd.s32 @!p0 $0x4E30, s22  }
0x49: {  	[tilespmem:s20], [sflag:s1] =	stream.indirect.gather @!p0 [hbm4b:s4+s23], $0x80, s21, s23, $0xb8;
	[tilespmem:$0x1FA30] =	vst v63  }
0x4a: {  	_ =	swait.ge [sflag:s16], $0x2400  }
0x4b: {  	[sflag:s16] =	ssyncset.done $0x0  }
0x4c: {  	[sflag:s16] =	ssyncadd.s32 $0xFFFFDC00  }
0x4d: {  	_ =	swait.ge [sflag:s17], $0x2400  }
0x4e: {  	[sflag:s17] =	ssyncset.done $0x0  }
0x4f: {  	[sflag:s17] =	ssyncadd.s32 $0xFFFFDC00  }
0x50: {  	_ =	swait.ge [sflag:s18], $0x2400  }
0x51: {  	s19 =	sadd.s32 $0x1, s19;
	[sflag:s18] =	ssyncset.done $0x0  }
0x52: {  	p0 =	sne.s32 s19, s10;
	[sflag:s18] =	ssyncadd.s32 $0xFFFFDC00  }
.Ltmp1:
0x53: {  	[bflag:$0x0] =	sbarrier.arrive $0xFFFF;
	(pc) =	sbr.rel @p0 .LBB2_1-.Ltmp1, $4  }
0x54: {  	[hbm:s9], [sflag:s6] =	dma.local [spmem:s11], $0x2800  }
0x55: {  	_ =	swait.ge [sflag:s12], $0x2800  }
0x56: {  	[sflag:s12] =	ssyncset.done $0x0  }
0x57: {  	[sflag:s12] =	ssyncadd.s32 $0xFFFFD800  }
0x58: {  	_ =	sfence.sel $0x180000  }
0x59: {  	[bflag:$0x0] =	sbarrier.arrive $0xFFFF  }
0x5a: {  	_ =	strace $0x9000004A  }
0x5b: {  	[bflag:$0x2] =	sbarrier.arrive $0xFFFF  }
0x5c: {  	p0 =	sne.s32 s0, $0x0;
	s0 =	rddreg [dreg:$0x2]  }
0x5d: {  	s0 =	sadd.s32 @!p0 $0x100000, s0  }
0x5e: {  	[sflag:s0] =	ssyncadd.tile.s32 @!p0 $0x1;
	_ =	shalt  }
.Lfunc_end2:
_tile_overlayer_lowered:
.L_overlay_start_2:
0x5f: {  	(tag) =	ssettag $0x2  }
0x60: {  	s0 =	rddreg [dreg:$0x0];
	s2 =	stileid.u32  }
0x61: {  	s1 =	rddreg [dreg:$0x1];
	p0 =	sne.s32 s2, $0x0  }
0x62: {  	s3 =	rddreg [dreg:$0x2];
	[bflag:$0x3] =	sbarrier.arrive $0xFFFF;
	s2 =	simm.s32 @!p0 $0x1C07  }
0x63: {  	[timem:s3], [sflag:s2] =	dma.local @!p0 [hbm:s0], s1  }
0x64: {  	s0 =	simm.s32 @!p0 $0x7  }
0x65: {  	_ =	swait.ge @!p0 [sflag:s0], s1  }
0x66: {  	s1 =	ssub.s32 @!p0 $0x0, s1;
	[sflag:s0] =	ssyncset.done @!p0 $0x0  }
0x67: {  	[sflag:s0] =	ssyncadd.s32 @!p0 s1  }
0x68: {  	[bflag:$0x3] =	sbarrier.arrive $0xFFFF  }
0x69: {  	_ =	shalt  }

// kernel: kernel.14.cloned.1.call-start
scs
__scs_entry_jumppad:
0x0: {  	(pc) =	sbr.rel $0x88, $3  }
0x1: {  	(tag) =	ssettag $0x0;
	lr =	simm.s32 $0x1  }
0x2: {  	[smem:$0x3F9B] =	sst lr;
	_ =	strace $0xD0000000  }
0x3: {  	_ = 	snop  }
0x4: {  	_ = 	snop  }
0x5: {  	_ = 	snop  }
0x6: {  	_ = 	snop  }
0x7: {  	_ = 	snop  }
__scs_overlays_trampoline_lowered:
0x8: {  	[smem:$0x3FAA] =	sst s0  }
0x9: {  	[smem:$0x3FAB] =	sst s1  }
0xa: {  	[smem:$0x3FAC] =	sst s2  }
0xb: {  	[smem:$0x3FAD] =	sst s3  }
0xc: {  	[smem:$0x3FAE] =	sst s4  }
0xd: {  	[smem:$0x3FAF] =	sst s5  }
0xe: {  	[smem:$0x3FB0] =	sst s6  }
0xf: {  	[smem:$0x3FB1] =	sst s7  }
0x10: {  	[smem:$0x3FB2] =	sst s8  }
0x11: {  	[smem:$0x3FB3] =	sst s9;
	s0 =	simm.s32 @!p0 $0x0  }
0x12: {  	s1 =	sld [smem:$0x3F99];
	s0 =	simm.s32 @p0 $0x1  }
0x13: {  	[smem:$0x3FB4] =	sst s0;
	s0 =	simm.s32 @!p1 $0x0  }
0x14: {  	s2 =	sld [smem:$0x3F98];
	s0 =	simm.s32 @p1 $0x1  }
0x15: {  	[smem:$0x3FB5] =	sst s0;
	s0 =	simm.s32 @!p2 $0x0  }
0x16: {  	s3 =	sld [smem:$0x3FDB];
	s0 =	simm.s32 @p2 $0x1  }
0x17: {  	s4 =	simm.s32 $0x1BF5;
	[smem:$0x3FB7] =	sst s0  }
0x18: {  	s0 =	sld [smem:$0x3F9A];
	_ =	swait.ge [sflag:s4], $0x0  }
0x19: {  	s7 =	sld [smem:$0x3F9B]  }
0x1a: {  	s8 =	sadd.s32 $0xFFFFE003, lr  }
0x1b: {  	s9 =	sadd.s32 $0xFFFFFEF7, lr;
	s5 =	simm.s32 $0xFFFFFFFF;
	p2 =	slt.u32 s8, $0xFFFFF086  }
0x1c: {  	p1 =	slt.u32 s9, $0xF7A;
	s5 =	simm.s32 @!p2 $0x0  }
0x1d: {  	s5 =	simm.s32 @p1 $0x1;
	p0 =	seq.s32 s7, s2  }
0x1e: {  	s7 =	smul.u32 @!p0 $0xF7A, s2;
	p2 =	seq.s32 @!p0 s5, $0x0  }
0x1f: {  	s9 =	smul.u32 $0xF7A, s1;
	s8 =	simm.s32 @!p0 $0x1BF5;
	p2 =	por !p2, p0  }
0x20: {  	[sflag:s8] =	ssyncset.s32 @!p0 $0xFFFFF086;
	s6 =	sadd.s32 @!p0 s3, s7;
	s7 =	simm.s32 @!p0 $0x108  }
0x21: {  	s3 =	sadd.s32 s3, s9;
	s6 =	sadd.s32 @!p0 $0x88, s6;
	s7 =	simm.s32 @p2 $0x1082  }
0x22: {  	[simem:s7], [sflag:s8] =	dma.local @!p0 [hbm:s6], $0xF7A  }
0x23: {  	s9 =	sor.u32 $0xD0000000, s2;
	s6 =	simm.s32 $0x108;
	_ =	swait.ge @!p0 [sflag:s8], $0x0  }
0x24: {  	s3 =	sadd.s32 $0x88, s3;
	s6 =	simm.s32 @!p1 $0x1082;
	[sflag:s4] =	ssyncset.s32 $0xFFFFF086  }
0x25: {  	[simem:s6], [sflag:s4] =	dma.local [hbm:s3], $0xF7A  }
0x26: {  	[smem:$0x3F9B] =	sst s1;
	(tag) =	ssettag s2;
	_ =	strace s9  }
0x27: {  	s1 =	sld [smem:$0x3FAB]  }
0x28: {  	s2 =	sld [smem:$0x3FAC]  }
0x29: {  	s4 =	sld [smem:$0x3FAE]  }
0x2a: {  	p0 =	seq.s32 s5, $0x0;
	s5 =	sld [smem:$0x3FAF]  }
0x2b: {  	s6 =	sld [smem:$0x3FB0]  }
0x2c: {  	s7 =	sld [smem:$0x3FB1]  }
0x2d: {  	s3 =	simm.s32 $0x108;
	s8 =	sld [smem:$0x3FB2]  }
0x2e: {  	s3 =	simm.s32 @!p0 $0x1082;
	s9 =	sld [smem:$0x3FB3]  }
0x2f: {  	lr =	sadd.s32 s0, s3;
	s0 =	sld [smem:$0x3FAA]  }
0x30: {  	s3 =	sld [smem:$0x3FAD]  }
0x31: {  	[smem:$0x3FB6] =	sst s10  }
0x32: {  	s10 =	sld [smem:$0x3FB4];
	_ =	sdelay $0x3  }
0x33: {  	p0 =	seq.s32 s10, $0x1;
	s10 =	sld [smem:$0x3FB6];
	_ =	sdelay $0x3  }
0x34: {  	[smem:$0x3FB6] =	sst s10  }
0x35: {  	s10 =	sld [smem:$0x3FB5];
	_ =	sdelay $0x3  }
0x36: {  	p1 =	seq.s32 s10, $0x1;
	s10 =	sld [smem:$0x3FB6];
	_ =	sdelay $0x3  }
0x37: {  	[smem:$0x3FB6] =	sst s10  }
0x38: {  	s10 =	sld [smem:$0x3FB7]  }
0x39: {  	_ = 	snop;
	(pc) =	sbr.ind lr, $3  }
0x3a: {  	_ = 	snop  }
0x3b: {  	_ = 	snop  }
0x3c: {  	p2 =	seq.s32 s10, $0x1;
	s10 =	sld [smem:$0x3FB6]  }
0x3d: {  	_ =	shalt  }
0x3e: {  	_ =	shalt  }
0x3f: {  	_ =	shalt  }
0x40: {  	_ =	shalt  }
0x41: {  	_ =	shalt  }
0x42: {  	_ =	shalt  }
0x43: {  	_ =	shalt  }
0x44: {  	_ =	shalt  }
0x45: {  	_ =	shalt  }
0x46: {  	_ =	shalt  }
0x47: {  	_ =	shalt  }
0x48: {  	_ =	shalt  }
0x49: {  	_ =	shalt  }
0x4a: {  	_ =	shalt  }
0x4b: {  	_ =	shalt  }
0x4c: {  	_ =	shalt  }
0x4d: {  	_ =	shalt  }
0x4e: {  	_ =	shalt  }
0x4f: {  	_ =	shalt  }
0x50: {  	_ =	shalt  }
0x51: {  	_ =	shalt  }
0x52: {  	_ =	shalt  }
0x53: {  	_ =	shalt  }
0x54: {  	_ =	shalt  }
0x55: {  	_ =	shalt  }
0x56: {  	_ =	shalt  }
0x57: {  	_ =	shalt  }
0x58: {  	_ =	shalt  }
0x59: {  	_ =	shalt  }
0x5a: {  	_ =	shalt  }
0x5b: {  	_ =	shalt  }
0x5c: {  	_ =	shalt  }
0x5d: {  	_ =	shalt  }
0x5e: {  	_ =	shalt  }
0x5f: {  	_ =	shalt  }
0x60: {  	_ =	shalt  }
0x61: {  	_ =	shalt  }
0x62: {  	_ =	shalt  }
0x63: {  	_ =	shalt  }
0x64: {  	_ =	shalt  }
0x65: {  	_ =	shalt  }
0x66: {  	_ =	shalt  }
0x67: {  	_ =	shalt  }
0x68: {  	_ =	shalt  }
0x69: {  	_ =	shalt  }
0x6a: {  	_ =	shalt  }
0x6b: {  	_ =	shalt  }
0x6c: {  	_ =	shalt  }
0x6d: {  	_ =	shalt  }
0x6e: {  	_ =	shalt  }
0x6f: {  	_ =	shalt  }
0x70: {  	_ =	shalt  }
0x71: {  	_ =	shalt  }
0x72: {  	_ =	shalt  }
0x73: {  	_ =	shalt  }
0x74: {  	_ =	shalt  }
0x75: {  	_ =	shalt  }
0x76: {  	_ =	shalt  }
0x77: {  	_ =	shalt  }
0x78: {  	_ =	shalt  }
0x79: {  	_ =	shalt  }
0x7a: {  	_ =	shalt  }
0x7b: {  	_ =	shalt  }
0x7c: {  	_ =	shalt  }
0x7d: {  	_ =	shalt  }
0x7e: {  	_ =	shalt  }
0x7f: {  	_ =	shalt  }
0x80: {  	_ =	shalt  }
0x81: {  	_ =	shalt  }
0x82: {  	_ =	shalt  }
0x83: {  	_ =	shalt  }
0x84: {  	_ =	shalt  }
0x85: {  	_ =	shalt  }
0x86: {  	_ =	shalt  }
0x87: {  	_ =	shalt  }
.Lfunc_end0:
.L_simem_size_0:
called_computation.2_lowered:
.L_overlay_start_0:
0x88: {  	s2 =	sld [smem:$0x3FD9]  }
0x89: {  	s3 =	sld [smem:$0x3FFE];
	_ =	sdelay $0x1  }
0x8a: {  	s1 =	srdreg.scid  }
0x8b: {  	s0 =	sand.u32 $0x1, s1  }
0x8c: {  	s16 =	sshll.u32 s0, $0xA;
	s2 =	sadd.s32 s3, s2  }
0x8d: {  	s2 =	sadd.s32 s2, s16  }
0x8e: {  	[smem:$0x3FC2] =	sst s2  }
0x8f: {  	_ = 	snop  }
0x90: {  	(tm) =	ssettm $0x1  }
0x91: {  	s17 =	sld [smem:$0x3FFB];
	_ =	sdelay $0x3  }
0x92: {  	_ =	strace s17  }
0x93: {  	s2 =	sld [smem:$0x3FFC];
	_ =	sdelay $0x3  }
0x94: {  	_ =	strace s2  }
0x95: {  	s2 =	sld [smem:$0x3FFD];
	_ =	sdelay $0x3  }
0x96: {  	_ =	strace s2  }
0x97: {  	_ =	strace $0x8FFFFFFF  }
0x98: {  	s18 =	sld [smem:$0x3FDB];
	_ =	sdelay $0x1  }
0x99: {  	s19 =	simm.s32 $_scs_section_size  }
0x9a: {  	s4 =	simm.s32 $_size__tile_overlayer_lowered;
	s5 =	simm.s32 $_tile_overlayer_lowered  }
0x9b: {  	s22 =	simm.s32 $0x1BFF;
	s21 =	sshll.u32 s5, $0x1;
	s2 =	sadd.s32 s19, s18  }
0x9c: {  	s6 =	simm.s32 $0x0;
	s20 =	sshll.u32 s4, $0x1;
	s4 =	sadd.s32 s21, s2  }
0x9d: {  	[timem:s6], [sflag:s22] =	dma.local [hbm:s4], s20  }
0x9e: {  	_ =	swait.ge [sflag:s22], s20  }
0x9f: {  	s3 =	ssub.s32 $0x0, s20;
	[sflag:s22] =	ssyncset.done $0x0  }
0xa0: {  	[sflag:s22] =	ssyncadd.s32 s3;
	_ =	sdelay $0x1  }
0xa1: {  	s23 =	simm.s32 $0x1B8B  }
0xa2: {  	_ =	swait.ge [sflag:s23], $0x1  }
0xa3: {  	[sflag:s23] =	ssyncset.done $0x0  }
0xa4: {  	s25 =	simm.s32 $0x1B8E;
	s24 =	sld [smem:$0x3FFE];
	[sflag:s23] =	ssyncadd.s32 $0xFFFFFFFF  }
0xa5: {  	s26 =	simm.s32 $execute0_lowered;
	[smem:$0x3FD2] =	sst s25  }
0xa6: {  	s4 =	sshll.u32 s26, $0x1;
	_ =	strace $0x8000004C;
	[dreg:$0x1] =	wrdreg $0xFFFFFFFF  }
0xa7: {  	s28 =	simm.s32 $_size_execute0_lowered;
	s2 =	sadd.s32 s2, s4;
	[dreg:$0x0] =	wrdreg $0x0  }
0xa8: {  	s4 =	sshll.u32 s28, $0x1;
	[dreg:$0x2] =	wrdreg s2  }
0xa9: {  	[dreg:$0x3] =	wrdreg s4  }
0xaa: {  	[dreg:$0x4] =	wrdreg $0xC0  }
0xab: {  	_ =	task [dreg:s6], $0x5FFFF  }
0xac: {  	[dreg:$0x1] =	wrdreg $0xFFFFFFFF  }
0xad: {  	[dreg:$0x0] =	wrdreg $0x60  }
0xae: {  	[dreg:$0x2] =	wrdreg s24  }
0xaf: {  	[dreg:$0x3] =	wrdreg $0x99400  }
0xb0: {  	[dreg:$0x4] =	wrdreg $0x72300  }
0xb1: {  	[dreg:$0x5] =	wrdreg $0x9  }
0xb2: {  	_ =	task.clear_ibuf [dreg:s6], $0x6FFFF;
	_ =	strace $0x9000004C  }
0xb3: {  	s29 =	simm.s32 $0x9;
	_ =	strace $0x8000004E  }
0xb4: {  	_ =	swait.ge [sflag:s29], $0x1  }
0xb5: {  	[sflag:s29] =	ssyncadd.s32 $0xFFFFFFFF  }
0xb6: {  	_ =	strace $0x9000004E  }
0xb7: {  	_ =	sfence  }
0xb8: {  	s30 =	sld [smem:$0x0];
	_ =	sdelay $0x2  }
0xb9: {  	s31 =	sshll.u32 s1, $0xD;
	s1 =	sshrl.u32 s1, $0x2  }
0xba: {  	s3 =	sand.u32 $0x4000, s31;
	s1 =	sadd.s32 s1, s30  }
0xbb: {  	s0 =	sor.u32 s3, s0;
	s1 =	sshll.u32 s1, $0x11  }
0xbc: {  	s0 =	sor.u32 s1, s0  }
0xbd: {  	s0 =	sadd.s32 $0x8F2B, s0  }
0xbe: {  	[sflag:s0] =	ssyncadd.remote.s32 $0x1  }
0xbf: {  	_ =	sfence.sel $0xFFFF  }
0xc0: {  	[dreg:$0x0] =	wrdreg $0xFFFFFFFF;
	(pc) =	sbr.abs _section_cstart, $3  }
0xc1: {  	[dreg:$0x1] =	wrdreg $0xFFFFFFFF  }
0xc2: {  	_ =	task.clear_ibuf [dreg:s6], $0x2FFFF;
	_ =	strace $0x9FFFFFFF  }
0xc3: {  	(tm) =	ssettm $0x7FFFFFFF  }
tec
execute0_lowered:
.L_overlay_start_1:
0x0: {  	(tag) =	ssettag $0x1  }
0x1: {  	s12 =	stileid.u32;
	s1 =	rddreg [dreg:$0x0]  }
0x2: {  	s0 =	srdreg.scid;
	s2 =	rddreg [dreg:$0x1];
	s13 =	simm.s32 $0x11  }
0x3: {  	s15 =	simm.s32 $0x2718;
	s16 =	simm.s32 $0x48;
	s17 =	simm.s32 $0x4E30  }
0x4: {  	s30 =	simm.s32 $0x1;
	s18 =	simm.s32 $0xA;
	s19 =	simm.s32 $0xB  }
0x5: {  	s20 =	simm.s32 $0xC;
	s21 =	simm.s32 $0xD;
	s22 =	simm.s32 $0xE  }
0x6: {  	s23 =	simm.s32 $0xF;
	s0 =	sand.u32 $0x1, s0;
	s5 =	smul.u32 $0x2710, s12  }
0x7: {  	s3 =	sshll.u32 s12, $0x1;
	s7 =	smul.u32 $0x2800, s12;
	s28 =	sshll.u32 s12, $0x6  }
0x8: {  	s4 =	sor.u32 s0, s3;
	s3 =	rddreg [dreg:$0x2];
	s9 =	smul.u32 $0x28000, s0  }
0x9: {  	s0 =	ssub.s32 $0x2, s0;
	s6 =	smul.u32 $0x4E3, s4;
	s4 =	simm.s32 $0x0  }
0xa: {  	s8 =	sshrl.u32 s5, $0x3;
	s25 =	sshrl.u32 s7, $0x3;
	s11 =	sshrl.u32 s0, $0x1  }
0xb: {  	s5 =	sadd.s32 s5, s3;
	[smem:$0x7FF] =	sst s4;
	s8 =	sadd.s32 s8, s1  }
0xc: {  	s24 =	sadd.s32 s7, s9;
	s9 =	sadd.s32 s25, s1;
	s0 =	ssub.s32 s0, s11  }
0xd: {  	s7 =	sadd.s32 s7, s2;
	s14 =	sshrl.u32 s5, $0x3;
	s25 =	simm.s32 $0x0  }
0xe: {  	_ =	strace $0x8000004D;
	s10 =	sadd.s32 s6, s1;
	s6 =	sshrl.u32 s24, $0x3  }
0xf: {  	s26 =	sadd.s32 $0x1FC00, s9;
	s8 =	sadd.s32 $0x2200, s8;
	s11 =	smax.u32 s0, $0x1  }
0x10: {  	s12 =	sshrl.u32 s7, $0x3;
	s0 =	simm.s32 $0x9;
	[dreg:$0x4] =	wrdreg s26  }
0x11: {  	s24 =	simm.s32 $0x10;
	[dreg:$0x5] =	wrdreg s8;
	s29 =	sadd.s32 $0x15E00, s10  }
0x12: {  	s1 =	sadd.s32 s6, s1;
	s31 =	sadd.s32 $0xC000, s10;
	[dreg:$0x6] =	wrdreg s29  }
0x13: {  	s6 =	sor.u32 $0x1C11, s28;
	[dreg:$0x7] =	wrdreg s31;
	s10 =	sadd.s32 $0x24C00, s1  }
.LBB2_1:
0x14: {  	s1 =	rddreg [dreg:$0x4]  }
0x15: {  	[spmem:s12], [sflag:s6] =	dma.local [hbm:s1], $0x500  }
0x16: {  	_ =	swait.ge [sflag:s13], $0x500  }
0x17: {  	[sflag:s13] =	ssyncset.done $0x0  }
0x18: {  	s5 =	rddreg [dreg:$0x5];
	[sflag:s13] =	ssyncadd.s32 $0xFFFFFB00  }
0x19: {  	[spmem:s14], [sflag:s6] =	dma.local [hbm:s5], $0x4E2  }
0x1a: {  	_ =	swait.ge [sflag:s13], $0x4E2  }
0x1b: {  	[sflag:s13] =	ssyncset.done $0x0  }
0x1c: {  	s7 =	rddreg [dreg:$0x6];
	[sflag:s13] =	ssyncadd.s32 $0xFFFFFB1E  }
0x1d: {  	[tilespmem:s4], [sflag:$0x11] =	stream.linear.gather [hbm4b:s7+s4], $0x2718, $0x38;
	[tilespmem:$0xC140] =	vst v63  }
0x1e: {  	_ =	swait.ge [sflag:s13], $0x2718  }
0x1f: {  	[sflag:s13] =	ssyncset.done $0x0  }
0x20: {  	s8 =	rddreg [dreg:$0x7];
	[sflag:s13] =	ssyncadd.s32 $0xFFFFD8E8  }
0x21: {  	[tilespmem:s15], [sflag:$0x11] =	stream.linear.gather [hbm4b:s8+s4], $0x2718, $0x38;
	[tilespmem:$0xC140] =	vst v63  }
0x22: {  	_ =	swait.ge [sflag:s13], $0x2718  }
0x23: {  	[sflag:s13] =	ssyncset.done $0x0  }
0x24: {  	[sflag:s13] =	ssyncadd.s32 $0xFFFFD8E8  }
0x25: {  	[bflag:$0x0] =	sbarrier.arrive $0xFFFF  }
0x26: {  	[tilespmem:s17], [sflag:$0x1] =	stream.indirect.gather [spmem:s3], $0x10, s4, s16, $0xb8;
	[tilespmem:$0xC140] =	vst v63  }
0x27: {  	s9 =	simm.s32 $0x52B0  }
0x28: {  	[tilespmem:s9], [sflag:$0x2] =	stream.indirect.gather [spmem:s3], $0x10, s16, s16, $0xb8;
	[tilespmem:$0xC140] =	vst v63  }
0x29: {  	s26 =	simm.s32 $0x90;
	s5 =	simm.s32 $0x5730  }
0x2a: {  	[tilespmem:s5], [sflag:$0x3] =	stream.indirect.gather [spmem:s3], $0x10, s26, s16, $0xb8;
	[tilespmem:$0xC140] =	vst v63  }
0x2b: {  	s7 =	simm.s32 $0xD8;
	s8 =	simm.s32 $0x5BB0  }
0x2c: {  	[tilespmem:s8], [sflag:$0x4] =	stream.indirect.gather [spmem:s3], $0x10, s7, s16, $0xb8;
	[tilespmem:$0xC140] =	vst v63  }
0x2d: {  	s9 =	simm.s32 $0x120;
	s26 =	simm.s32 $0x6030  }
0x2e: {  	[tilespmem:s26], [sflag:$0x5] =	stream.indirect.gather [spmem:s3], $0x10, s9, s16, $0xb8;
	[tilespmem:$0xC140] =	vst v63  }
0x2f: {  	s7 =	simm.s32 $0x168;
	s8 =	simm.s32 $0x64B0  }
0x30: {  	[tilespmem:s8], [sflag:$0x6] =	stream.indirect.gather [spmem:s3], $0x10, s7, s16, $0xb8;
	[tilespmem:$0xC140] =	vst v63  }
0x31: {  	s9 =	simm.s32 $0x1B0;
	s26 =	simm.s32 $0x6930  }
0x32: {  	[tilespmem:s26], [sflag:$0x7] =	stream.indirect.gather [spmem:s3], $0x10, s9, s16, $0xb8;
	[tilespmem:$0xC140] =	vst v63  }
0x33: {  	_ =	swait.ge [sflag:s30], $0x480  }
0x34: {  	s28 =	simm.s32 $0x2760;
	p0 =	por $0x0, $0x0;
	[sflag:s30] =	ssyncset.done $0x0  }
0x35: {  	s31 =	simm.s32 $0x240;
	s8 =	simm.s32 $0x1;
	[sflag:s30] =	ssyncadd.s32 $0xFFFFFB80  }
0x36: {  	[spmem:s2] =	stream.indirect.scatter.add.f32 [tilespmem:s17], [sflag:$0x9], $0x10, s15, s16, $0xb8;
	[tilespmem:$0xC140] =	vst v63  }
0x37: {  	s5 =	simm.s32 $0x1F8;
	s7 =	simm.s32 $0x6DB0;
	s1 =	sand.u32 $0x7, s8  }
0x38: {  	[tilespmem:s7], [sflag:$0x8] =	stream.indirect.gather [spmem:s3], $0x10, s5, s16, $0xb8;
	[tilespmem:$0xC140] =	vst v63  }
0x39: {  	s8 =	smul.u32 $0x1200, s1;
	s26 =	simm.s32 $0x240;
	s7 =	sadd.s32 $0x1, s1  }
0x3a: {  	s29 =	sadd.s32 $0x9, s1;
	s5 =	simm.s32 $0x8;
	_ =	swait.ge [sflag:s7], $0x480  }
0x3b: {  	s9 =	sshrl.u32 s8, $0x2;
	s5 =	sand.u32 @!p0 $0x7, s5;
	[sflag:s7] =	ssyncset.done $0x0  }
0x3c: {  	s8 =	sadd.s32 $0x4E30, s9;
	[sflag:s7] =	ssyncadd.s32 $0xFFFFFB80;
	s7 =	smul.u32 @!p0 $0x1200, s5  }
0x3d: {  	[spmem:s2] =	stream.indirect.scatter.add.f32 [tilespmem:s8], [sflag:s29], $0x10, s28, s16, $0xb8;
	[tilespmem:$0xC140] =	vst v63  }
0x3e: {  	s1 =	sadd.s32 @!p0 $0x9, s5;
	s5 =	sadd.s32 @!p0 $0x1, s5;
	s28 =	simm.s32 $0x9  }
0x3f: {  	s29 =	simm.s32 $0x27A8;
	_ =	swait.ge @!p0 [sflag:s1], $0x480;
	s7 =	sshrl.u32 @!p0 s7, $0x2  }
0x40: {  	s8 =	simm.s32 @!p0 $0x48;
	[sflag:s1] =	ssyncset.done @!p0 $0x0;
	s7 =	sadd.s32 @!p0 $0x4E30, s7  }
.LBB2_2:
0x41: {  	[sflag:s1] =	ssyncadd.s32 @!p0 $0xFFFFFB80  }
0x42: {  	s26 =	sadd.s32 $0x48, s26;
	s1 =	smov.u32 s28;
	s28 =	sadd.s32 $0x1, s28  }
0x43: {  	[tilespmem:s7], [sflag:s5] =	stream.indirect.gather @!p0 [spmem:s3], $0x10, s31, s8, $0xb8;
	[tilespmem:$0xC140] =	vst v63  }
0x44: {  	s5 =	sadd.s32 $0xFFFFFFF9, s1;
	p1 =	sne.s32 s28, $0x92;
	s31 =	smov.u32 s26  }
0x45: {  	s7 =	sand.u32 $0x7, s5  }
0x46: {  	s8 =	sadd.s32 $0x1, s7;
	s9 =	smul.u32 $0x1200, s7  }
0x47: {  	p0 =	sgt.u32 s5, $0x83;
	s7 =	sadd.s32 $0x9, s7;
	_ =	swait.ge [sflag:s8], $0x480  }
0x48: {  	s5 =	sand.u32 @!p0 $0x7, s1;
	s9 =	sshrl.u32 s9, $0x2;
	[sflag:s8] =	ssyncset.done $0x0  }
.Ltmp0:
0x49: {  	s9 =	sadd.s32 $0x4E30, s9;
	[sflag:s8] =	ssyncadd.s32 $0xFFFFFB80;
	(pc) =	sbr.rel @p1 .LBB2_2-.Ltmp0, $4  }
0x4a: {  	s1 =	sadd.s32 @!p0 $0x9, s5;
	s8 =	smul.u32 @!p0 $0x1200, s5;
	s5 =	sadd.s32 @!p0 $0x1, s5  }
0x4b: {  	[spmem:s2] =	stream.indirect.scatter.add.f32 [tilespmem:s9], [sflag:s7], $0x10, s29, s16, $0xb8;
	[tilespmem:$0xC140] =	vst v63  }
0x4c: {  	s7 =	sshrl.u32 @!p0 s8, $0x2;
	s29 =	sadd.s32 $0x48, s29;
	_ =	swait.ge @!p0 [sflag:s1], $0x480  }
0x4d: {  	s8 =	simm.s32 @!p0 $0x48;
	s7 =	sadd.s32 @!p0 $0x4E30, s7;
	[sflag:s1] =	ssyncset.done @!p0 $0x0  }
0x4e: {  	[sflag:s1] =	ssyncadd.s32 @!p0 $0xFFFFFB80  }
0x4f: {  	[tilespmem:s7], [sflag:s5] =	stream.indirect.gather @!p0 [spmem:s3], $0x10, s31, s8, $0xb8;
	[tilespmem:$0xC140] =	vst v63  }
0x50: {  	_ =	swait.ge [sflag:s0], $0x480  }
0x51: {  	[sflag:s0] =	ssyncset.done $0x0  }
0x52: {  	[sflag:s0] =	ssyncadd.s32 $0xFFFFFB80  }
0x53: {  	_ =	swait.ge [sflag:s18], $0x480  }
0x54: {  	[sflag:s18] =	ssyncset.done $0x0  }
0x55: {  	[sflag:s18] =	ssyncadd.s32 $0xFFFFFB80  }
0x56: {  	_ =	swait.ge [sflag:s19], $0x480  }
0x57: {  	[sflag:s19] =	ssyncset.done $0x0  }
0x58: {  	[sflag:s19] =	ssyncadd.s32 $0xFFFFFB80  }
0x59: {  	_ =	swait.ge [sflag:s20], $0x480  }
0x5a: {  	[sflag:s20] =	ssyncset.done $0x0  }
0x5b: {  	[sflag:s20] =	ssyncadd.s32 $0xFFFFFB80  }
0x5c: {  	_ =	swait.ge [sflag:s21], $0x480  }
0x5d: {  	[sflag:s21] =	ssyncset.done $0x0  }
0x5e: {  	[sflag:s21] =	ssyncadd.s32 $0xFFFFFB80  }
0x5f: {  	_ =	swait.ge [sflag:s22], $0x480  }
0x60: {  	[sflag:s22] =	ssyncset.done $0x0  }
0x61: {  	[sflag:s22] =	ssyncadd.s32 $0xFFFFFB80  }
0x62: {  	_ =	swait.ge [sflag:s23], $0x480  }
0x63: {  	[sflag:s23] =	ssyncset.done $0x0  }
0x64: {  	[sflag:s23] =	ssyncadd.s32 $0xFFFFFB80  }
0x65: {  	_ =	swait.ge [sflag:s24], $0x480  }
0x66: {  	s25 =	sadd.s32 $0x1, s25;
	[sflag:s24] =	ssyncset.done $0x0  }
0x67: {  	p0 =	sne.s32 s25, s11;
	[sflag:s24] =	ssyncadd.s32 $0xFFFFFB80  }
.Ltmp1:
0x68: {  	[bflag:$0x0] =	sbarrier.arrive $0xFFFF;
	(pc) =	sbr.rel @p0 .LBB2_1-.Ltmp1, $4  }
0x69: {  	[hbm:s10], [sflag:s6] =	dma.local [spmem:s12], $0x500  }
0x6a: {  	_ =	swait.ge [sflag:s13], $0x500  }
0x6b: {  	[sflag:s13] =	ssyncset.done $0x0  }
0x6c: {  	[sflag:s13] =	ssyncadd.s32 $0xFFFFFB00  }
0x6d: {  	_ =	sfence.sel $0x180000  }
0x6e: {  	[bflag:$0x0] =	sbarrier.arrive $0xFFFF  }
0x6f: {  	_ =	strace $0x9000004D  }
0x70: {  	s0 =	stileid.u32;
	[bflag:$0x2] =	sbarrier.arrive $0xFFFF  }
0x71: {  	p0 =	sne.s32 s0, $0x0;
	s0 =	rddreg [dreg:$0x3]  }
0x72: {  	s0 =	sadd.s32 @!p0 $0x100000, s0  }
0x73: {  	[sflag:s0] =	ssyncadd.tile.s32 @!p0 $0x1;
	_ =	shalt  }
.Lfunc_end2:
_tile_overlayer_lowered:
.L_overlay_start_2:
0x74: {  	(tag) =	ssettag $0x2  }
0x75: {  	s0 =	rddreg [dreg:$0x0];
	s2 =	stileid.u32  }
0x76: {  	s1 =	rddreg [dreg:$0x1];
	p0 =	sne.s32 s2, $0x0  }
0x77: {  	s3 =	rddreg [dreg:$0x2];
	[bflag:$0x3] =	sbarrier.arrive $0xFFFF;
	s2 =	simm.s32 @!p0 $0x1C11  }
0x78: {  	[timem:s3], [sflag:s2] =	dma.local @!p0 [hbm:s0], s1  }
0x79: {  	s0 =	simm.s32 @!p0 $0x11  }
0x7a: {  	_ =	swait.ge @!p0 [sflag:s0], s1  }
0x7b: {  	s1 =	ssub.s32 @!p0 $0x0, s1;
	[sflag:s0] =	ssyncset.done @!p0 $0x0  }
0x7c: {  	[sflag:s0] =	ssyncadd.s32 @!p0 s1  }
0x7d: {  	[bflag:$0x3] =	sbarrier.arrive $0xFFFF  }
0x7e: {  	_ =	shalt  }

// kernel: kernel.8.cloned.1.call-start
scs
__scs_entry_jumppad:
0x0: {  	(pc) =	sbr.rel $0x88, $3  }
0x1: {  	(tag) =	ssettag $0x0;
	lr =	simm.s32 $0x1  }
0x2: {  	[smem:$0x3F9B] =	sst lr;
	_ =	strace $0xD0000000  }
0x3: {  	_ = 	snop  }
0x4: {  	_ = 	snop  }
0x5: {  	_ = 	snop  }
0x6: {  	_ = 	snop  }
0x7: {  	_ = 	snop  }
__scs_overlays_trampoline_lowered:
0x8: {  	[smem:$0x3FAA] =	sst s0  }
0x9: {  	[smem:$0x3FAB] =	sst s1  }
0xa: {  	[smem:$0x3FAC] =	sst s2  }
0xb: {  	[smem:$0x3FAD] =	sst s3  }
0xc: {  	[smem:$0x3FAE] =	sst s4  }
0xd: {  	[smem:$0x3FAF] =	sst s5  }
0xe: {  	[smem:$0x3FB0] =	sst s6  }
0xf: {  	[smem:$0x3FB1] =	sst s7  }
0x10: {  	[smem:$0x3FB2] =	sst s8  }
0x11: {  	[smem:$0x3FB3] =	sst s9;
	s0 =	simm.s32 @!p0 $0x0  }
0x12: {  	s1 =	sld [smem:$0x3F99];
	s0 =	simm.s32 @p0 $0x1  }
0x13: {  	[smem:$0x3FB4] =	sst s0;
	s0 =	simm.s32 @!p1 $0x0  }
0x14: {  	s2 =	sld [smem:$0x3F98];
	s0 =	simm.s32 @p1 $0x1  }
0x15: {  	[smem:$0x3FB5] =	sst s0;
	s0 =	simm.s32 @!p2 $0x0  }
0x16: {  	s3 =	sld [smem:$0x3FDB];
	s0 =	simm.s32 @p2 $0x1  }
0x17: {  	s4 =	simm.s32 $0x1BF5;
	[smem:$0x3FB7] =	sst s0  }
0x18: {  	s0 =	sld [smem:$0x3F9A];
	_ =	swait.ge [sflag:s4], $0x0  }
0x19: {  	s7 =	sld [smem:$0x3F9B]  }
0x1a: {  	s8 =	sadd.s32 $0xFFFFE003, lr  }
0x1b: {  	s9 =	sadd.s32 $0xFFFFFEF7, lr;
	s5 =	simm.s32 $0xFFFFFFFF;
	p2 =	slt.u32 s8, $0xFFFFF086  }
0x1c: {  	p1 =	slt.u32 s9, $0xF7A;
	s5 =	simm.s32 @!p2 $0x0  }
0x1d: {  	s5 =	simm.s32 @p1 $0x1;
	p0 =	seq.s32 s7, s2  }
0x1e: {  	s7 =	smul.u32 @!p0 $0xF7A, s2;
	p2 =	seq.s32 @!p0 s5, $0x0  }
0x1f: {  	s9 =	smul.u32 $0xF7A, s1;
	s8 =	simm.s32 @!p0 $0x1BF5;
	p2 =	por !p2, p0  }
0x20: {  	[sflag:s8] =	ssyncset.s32 @!p0 $0xFFFFF086;
	s6 =	sadd.s32 @!p0 s3, s7;
	s7 =	simm.s32 @!p0 $0x108  }
0x21: {  	s3 =	sadd.s32 s3, s9;
	s6 =	sadd.s32 @!p0 $0x88, s6;
	s7 =	simm.s32 @p2 $0x1082  }
0x22: {  	[simem:s7], [sflag:s8] =	dma.local @!p0 [hbm:s6], $0xF7A  }
0x23: {  	s9 =	sor.u32 $0xD0000000, s2;
	s6 =	simm.s32 $0x108;
	_ =	swait.ge @!p0 [sflag:s8], $0x0  }
0x24: {  	s3 =	sadd.s32 $0x88, s3;
	s6 =	simm.s32 @!p1 $0x1082;
	[sflag:s4] =	ssyncset.s32 $0xFFFFF086  }
0x25: {  	[simem:s6], [sflag:s4] =	dma.local [hbm:s3], $0xF7A  }
0x26: {  	[smem:$0x3F9B] =	sst s1;
	(tag) =	ssettag s2;
	_ =	strace s9  }
0x27: {  	s1 =	sld [smem:$0x3FAB]  }
0x28: {  	s2 =	sld [smem:$0x3FAC]  }
0x29: {  	s4 =	sld [smem:$0x3FAE]  }
0x2a: {  	p0 =	seq.s32 s5, $0x0;
	s5 =	sld [smem:$0x3FAF]  }
0x2b: {  	s6 =	sld [smem:$0x3FB0]  }
0x2c: {  	s7 =	sld [smem:$0x3FB1]  }
0x2d: {  	s3 =	simm.s32 $0x108;
	s8 =	sld [smem:$0x3FB2]  }
0x2e: {  	s3 =	simm.s32 @!p0 $0x1082;
	s9 =	sld [smem:$0x3FB3]  }
0x2f: {  	lr =	sadd.s32 s0, s3;
	s0 =	sld [smem:$0x3FAA]  }
0x30: {  	s3 =	sld [smem:$0x3FAD]  }
0x31: {  	[smem:$0x3FB6] =	sst s10  }
0x32: {  	s10 =	sld [smem:$0x3FB4];
	_ =	sdelay $0x3  }
0x33: {  	p0 =	seq.s32 s10, $0x1;
	s10 =	sld [smem:$0x3FB6];
	_ =	sdelay $0x3  }
0x34: {  	[smem:$0x3FB6] =	sst s10  }
0x35: {  	s10 =	sld [smem:$0x3FB5];
	_ =	sdelay $0x3  }
0x36: {  	p1 =	seq.s32 s10, $0x1;
	s10 =	sld [smem:$0x3FB6];
	_ =	sdelay $0x3  }
0x37: {  	[smem:$0x3FB6] =	sst s10  }
0x38: {  	s10 =	sld [smem:$0x3FB7]  }
0x39: {  	_ = 	snop;
	(pc) =	sbr.ind lr, $3  }
0x3a: {  	_ = 	snop  }
0x3b: {  	_ = 	snop  }
0x3c: {  	p2 =	seq.s32 s10, $0x1;
	s10 =	sld [smem:$0x3FB6]  }
0x3d: {  	_ =	shalt  }
0x3e: {  	_ =	shalt  }
0x3f: {  	_ =	shalt  }
0x40: {  	_ =	shalt  }
0x41: {  	_ =	shalt  }
0x42: {  	_ =	shalt  }
0x43: {  	_ =	shalt  }
0x44: {  	_ =	shalt  }
0x45: {  	_ =	shalt  }
0x46: {  	_ =	shalt  }
0x47: {  	_ =	shalt  }
0x48: {  	_ =	shalt  }
0x49: {  	_ =	shalt  }
0x4a: {  	_ =	shalt  }
0x4b: {  	_ =	shalt  }
0x4c: {  	_ =	shalt  }
0x4d: {  	_ =	shalt  }
0x4e: {  	_ =	shalt  }
0x4f: {  	_ =	shalt  }
0x50: {  	_ =	shalt  }
0x51: {  	_ =	shalt  }
0x52: {  	_ =	shalt  }
0x53: {  	_ =	shalt  }
0x54: {  	_ =	shalt  }
0x55: {  	_ =	shalt  }
0x56: {  	_ =	shalt  }
0x57: {  	_ =	shalt  }
0x58: {  	_ =	shalt  }
0x59: {  	_ =	shalt  }
0x5a: {  	_ =	shalt  }
0x5b: {  	_ =	shalt  }
0x5c: {  	_ =	shalt  }
0x5d: {  	_ =	shalt  }
0x5e: {  	_ =	shalt  }
0x5f: {  	_ =	shalt  }
0x60: {  	_ =	shalt  }
0x61: {  	_ =	shalt  }
0x62: {  	_ =	shalt  }
0x63: {  	_ =	shalt  }
0x64: {  	_ =	shalt  }
0x65: {  	_ =	shalt  }
0x66: {  	_ =	shalt  }
0x67: {  	_ =	shalt  }
0x68: {  	_ =	shalt  }
0x69: {  	_ =	shalt  }
0x6a: {  	_ =	shalt  }
0x6b: {  	_ =	shalt  }
0x6c: {  	_ =	shalt  }
0x6d: {  	_ =	shalt  }
0x6e: {  	_ =	shalt  }
0x6f: {  	_ =	shalt  }
0x70: {  	_ =	shalt  }
0x71: {  	_ =	shalt  }
0x72: {  	_ =	shalt  }
0x73: {  	_ =	shalt  }
0x74: {  	_ =	shalt  }
0x75: {  	_ =	shalt  }
0x76: {  	_ =	shalt  }
0x77: {  	_ =	shalt  }
0x78: {  	_ =	shalt  }
0x79: {  	_ =	shalt  }
0x7a: {  	_ =	shalt  }
0x7b: {  	_ =	shalt  }
0x7c: {  	_ =	shalt  }
0x7d: {  	_ =	shalt  }
0x7e: {  	_ =	shalt  }
0x7f: {  	_ =	shalt  }
0x80: {  	_ =	shalt  }
0x81: {  	_ =	shalt  }
0x82: {  	_ =	shalt  }
0x83: {  	_ =	shalt  }
0x84: {  	_ =	shalt  }
0x85: {  	_ =	shalt  }
0x86: {  	_ =	shalt  }
0x87: {  	_ =	shalt  }
.Lfunc_end0:
.L_simem_size_0:
called_computation_lowered:
.L_overlay_start_0:
0x88: {  	s2 =	sld [smem:$0x3FD9]  }
0x89: {  	s3 =	sld [smem:$0x3FFE];
	_ =	sdelay $0x1  }
0x8a: {  	s1 =	srdreg.scid  }
0x8b: {  	s0 =	sand.u32 $0x1, s1  }
0x8c: {  	s17 =	sshll.u32 s0, $0xA;
	s2 =	sadd.s32 s3, s2  }
0x8d: {  	s2 =	sadd.s32 s2, s17  }
0x8e: {  	[smem:$0x3FC2] =	sst s2  }
0x8f: {  	_ = 	snop  }
0x90: {  	s2 =	sld [smem:$0x3FD0];
	(tm) =	ssettm $0x1  }
0x91: {  	s18 =	sld [smem:$0x3FFB];
	_ =	sdelay $0x3  }
0x92: {  	_ =	strace s18  }
0x93: {  	s3 =	sld [smem:$0x3FFC];
	_ =	sdelay $0x3  }
0x94: {  	_ =	strace s3  }
0x95: {  	s3 =	sld [smem:$0x3FFD];
	_ =	sdelay $0x3  }
0x96: {  	_ =	strace s3  }
0x97: {  	_ =	strace $0x8FFFFFFF  }
0x98: {  	s19 =	sld [smem:$0x3FDB];
	_ =	sdelay $0x1  }
0x99: {  	s4 =	simm.s32 $_scs_section_size  }
0x9a: {  	s5 =	simm.s32 $_size__tile_overlayer_lowered;
	s6 =	simm.s32 $_tile_overlayer_lowered  }
0x9b: {  	s22 =	simm.s32 $0x1BFF;
	s21 =	sshll.u32 s6, $0x1;
	s3 =	sadd.s32 s4, s19  }
0x9c: {  	s7 =	simm.s32 $0x0;
	s20 =	sshll.u32 s5, $0x1;
	s5 =	sadd.s32 s21, s3  }
0x9d: {  	[timem:s7], [sflag:s22] =	dma.local [hbm:s5], s20  }
0x9e: {  	_ =	swait.ge [sflag:s22], s20  }
0x9f: {  	s4 =	ssub.s32 $0x0, s20;
	[sflag:s22] =	ssyncset.done $0x0  }
0xa0: {  	[sflag:s22] =	ssyncadd.s32 s4;
	_ =	sdelay $0x1  }
0xa1: {  	s23 =	simm.s32 $0x1B8B  }
0xa2: {  	_ =	swait.ge [sflag:s23], $0x1  }
0xa3: {  	[sflag:s23] =	ssyncset.done $0x0  }
0xa4: {  	s25 =	simm.s32 $0x1B8E;
	s24 =	sld [smem:$0x3FFE];
	[sflag:s23] =	ssyncadd.s32 $0xFFFFFFFF  }
0xa5: {  	s26 =	simm.s32 $execute0_lowered;
	[smem:$0x3FD2] =	sst s25  }
0xa6: {  	s5 =	sshll.u32 s26, $0x1;
	_ =	strace $0x80000046;
	[dreg:$0x1] =	wrdreg $0xFFFFFFFF  }
0xa7: {  	s28 =	simm.s32 $_size_execute0_lowered;
	s3 =	sadd.s32 s3, s5;
	[dreg:$0x0] =	wrdreg $0x0  }
0xa8: {  	s5 =	sshll.u32 s28, $0x1;
	[dreg:$0x2] =	wrdreg s3  }
0xa9: {  	[dreg:$0x3] =	wrdreg s5  }
0xaa: {  	[dreg:$0x4] =	wrdreg $0xC0  }
0xab: {  	_ =	task [dreg:s7], $0x5FFFF  }
0xac: {  	[dreg:$0x1] =	wrdreg $0xFFFFFFFF  }
0xad: {  	[dreg:$0x0] =	wrdreg $0x60  }
0xae: {  	[dreg:$0x2] =	wrdreg s24  }
0xaf: {  	[dreg:$0x3] =	wrdreg s2  }
0xb0: {  	[dreg:$0x4] =	wrdreg $0x79900  }
0xb1: {  	[dreg:$0x5] =	wrdreg $0x9  }
0xb2: {  	_ =	task.clear_ibuf [dreg:s7], $0x6FFFF;
	_ =	strace $0x90000046  }
0xb3: {  	s29 =	simm.s32 $0x9;
	_ =	strace $0x80000048  }
0xb4: {  	_ =	swait.ge [sflag:s29], $0x1  }
0xb5: {  	[sflag:s29] =	ssyncadd.s32 $0xFFFFFFFF  }
0xb6: {  	_ =	strace $0x90000048  }
0xb7: {  	_ =	sfence  }
0xb8: {  	s30 =	sld [smem:$0x0];
	_ =	sdelay $0x2  }
0xb9: {  	s31 =	sshll.u32 s1, $0xD;
	s1 =	sshrl.u32 s1, $0x2  }
0xba: {  	s3 =	sand.u32 $0x4000, s31;
	s1 =	sadd.s32 s1, s30  }
0xbb: {  	s0 =	sor.u32 s3, s0;
	s1 =	sshll.u32 s1, $0x11  }
0xbc: {  	s0 =	sor.u32 s1, s0  }
0xbd: {  	s0 =	sadd.s32 $0x8F2B, s0  }
0xbe: {  	[sflag:s0] =	ssyncadd.remote.s32 $0x1  }
0xbf: {  	_ =	sfence.sel $0xFFFF  }
0xc0: {  	[dreg:$0x0] =	wrdreg $0xFFFFFFFF;
	(pc) =	sbr.abs _section_cstart, $3  }
0xc1: {  	[dreg:$0x1] =	wrdreg $0xFFFFFFFF  }
0xc2: {  	_ =	task.clear_ibuf [dreg:s7], $0x2FFFF;
	_ =	strace $0x9FFFFFFF  }
0xc3: {  	(tm) =	ssettm $0x7FFFFFFF  }
tec
execute0_lowered:
.L_overlay_start_1:
0x0: {  	(tag) =	ssettag $0x1  }
0x1: {  	s3 =	rddreg [dreg:$0x0]  }
0x2: {  	s1 =	srdreg.scid;
	s6 =	rddreg [dreg:$0x1]  }
0x3: {  	s0 =	stileid.u32;
	s5 =	rddreg [dreg:$0x2]  }
0x4: {  	s2 =	simm.s32 $0x0;
	s12 =	simm.s32 $0x4F10;
	s13 =	simm.s32 $0x7710  }
0x5: {  	s14 =	simm.s32 $0x0;
	s4 =	sand.u32 $0x1, s1;
	s8 =	smul.u32 $0xA000, s0  }
0x6: {  	s28 =	sshll.u32 s0, $0x1;
	s10 =	smul.u32 $0x280, s0;
	[smem:$0x7FF] =	sst s2  }
0x7: {  	s1 =	sor.u32 s4, s28;
	s9 =	ssub.s32 $0x2, s4;
	s4 =	smul.u32 $0x2800, s4  }
0x8: {  	s7 =	smul.u32 $0x4E2, s1;
	s1 =	rddreg [dreg:$0x3];
	s11 =	sshrl.u32 s9, $0x1  }
0x9: {  	_ =	strace $0x80000047;
	s8 =	sshrl.u32 s8, $0x2;
	s29 =	ssub.s32 s9, s11  }
0xa: {  	s30 =	sadd.s32 s10, s4;
	s4 =	sadd.s32 s8, s5;
	s5 =	sadd.s32 s10, s5  }
0xb: {  	s8 =	simm.s32 $0x1;
	s9 =	simm.s32 $0x2710;
	s10 =	simm.s32 $0x280  }
0xc: {  	s11 =	simm.s32 $0x2800;
	s3 =	sadd.s32 s7, s3;
	s31 =	sshrl.u32 s30, $0x3  }
0xd: {  	v0 =	vimm.f32 $0.0e+00;
	v1 =	vimm.f32 $1.000000000e+00;
	s7 =	smax.u32 s29, $0x1;
	s3 =	sadd.s32 $0x2200, s3;
	s6 =	sadd.s32 s6, s31  }
.LBB2_1:
0xe: {  	s15 =	simm.s32 $0x40;
	s16 =	simm.s32 $0x0  }
.LBB2_2:
0xf: {  	p0 =	sne.s32 s15, $0x9FC0;
	[tilespmem:s16+$0x2710] =	vst v0;
	s16 =	smov.u32 s15;
	s15 =	sadd.s32 $0x40, s15  }
.Ltmp0:
0x10: {  	(pc) =	sbr.rel @p0 .LBB2_2-.Ltmp0, $2  }
0x11: {  	_ =	sdelay $0x2  }
0x12: {  	s16 =	sshra.s32 s16, $0x2  }
0x13: {  	[tilespmem:s16+$0x2710] =	vst v0;
	s15 =	simm.s32 $0x0  }
0x14: {  	[tilespmem:s15], [sflag:$0x1] =	stream.linear.gather [hbm4b:s3+s15], $0x2710, $0x38;
	[tilespmem:$0xA190] =	vst v63  }
0x15: {  	_ =	swait.ge [sflag:s8], $0x2710  }
0x16: {  	[sflag:s8] =	ssyncset.done $0x0  }
0x17: {  	s16 =	simm.s32 $0x0;
	s15 =	simm.s32 $0x40;
	[sflag:s8] =	ssyncadd.s32 $0xFFFFD8F0  }
.LBB2_4:
0x18: {  	p0 =	sne.s32 s15, $0x9C00;
	v2 =	vld [tilespmem:s16+$0x0];
	_ =	sdelay $0x3  }
.Ltmp1:
0x19: {  	(pc) =	sbr.rel @p0 .LBB2_4-.Ltmp1, $2  }
0x1a: {  	_ =	sdelay $0x2  }
0x1b: {  	s16 =	sshra.s32 s15, $0x2;
	s15 =	sadd.s32 $0x40, s15;
	[tilespmem:v2+s9+$0x0] =	vst.idx.add.f32.msk $0xffff, v1  }
0x1c: {  	v2 =	vld [tilespmem:s16+$0x0];
	_ =	sdelay $0x7  }
0x1d: {  	[tilespmem:v2+s9+$0x0] =	vst.idx.add.f32.msk $0xffff, v1  }
0x1e: {  	[spmem:s4] =	stream.linear.scatter [tilespmem:s9], [sflag:$0x1], $0x2800, $0x38;
	[tilespmem:$0xA190] =	vst v63  }
0x1f: {  	_ =	swait.ge [sflag:s8], $0x2800  }
0x20: {  	[sflag:s8] =	ssyncset.done $0x0  }
0x21: {  	[sflag:s8] =	ssyncadd.s32 $0xFFFFD800  }
0x22: {  	[bflag:$0x0] =	sbarrier.arrive $0xFFFF  }
0x23: {  	[tilespmem:s12], [sflag:$0x1] =	stream.strided.gather [spmem:s5], $0x2800, s11, s10, $0x38;
	[tilespmem:$0xA190] =	vst v63  }
0x24: {  	_ =	swait.ge [sflag:s8], $0x2800  }
0x25: {  	[sflag:s8] =	ssyncset.done $0x0  }
0x26: {  	s16 =	simm.s32 $0x0;
	[sflag:s8] =	ssyncadd.s32 $0xFFFFD800  }
0x27: {  	v2 =	vld [tilespmem:s16+$0x4F10]  }
0x28: {  	v3 =	vld [tilespmem:s16+$0x5190];
	_ =	sdelay $0x1  }
0x29: {  	v4 =	vld [tilespmem:s16+$0x5410];
	_ =	sdelay $0x1  }
0x2a: {  	v5 =	vld [tilespmem:s16+$0x5690]  }
0x2b: {  	v2 =	vadd.f32 v3, v2  }
0x2c: {  	v3 =	vld [tilespmem:s16+$0x5910]  }
0x2d: {  	v2 =	vadd.f32 v4, v2  }
0x2e: {  	v4 =	vld [tilespmem:s16+$0x5B90]  }
0x2f: {  	v2 =	vadd.f32 v5, v2  }
0x30: {  	v5 =	vld [tilespmem:s16+$0x5E10]  }
0x31: {  	v2 =	vadd.f32 v3, v2  }
0x32: {  	v3 =	vld [tilespmem:s16+$0x6090]  }
0x33: {  	s15 =	simm.s32 $0x10;
	v6 =	vld [tilespmem:s16+$0x6310];
	v2 =	vadd.f32 v4, v2  }
0x34: {  	v7 =	vld [tilespmem:s15+$0x4F10]  }
0x35: {  	v4 =	vld [tilespmem:s16+$0x6590];
	v2 =	vadd.f32 v5, v2  }
0x36: {  	v5 =	vld [tilespmem:s15+$0x5190]  }
0x37: {  	v8 =	vld [tilespmem:s15+$0x5410];
	v2 =	vadd.f32 v3, v2  }
0x38: {  	v3 =	vld [tilespmem:s16+$0x6810]  }
0x39: {  	v9 =	vld [tilespmem:s15+$0x5690];
	v2 =	vadd.f32 v6, v2  }
0x3a: {  	v6 =	vld [tilespmem:s16+$0x6A90]  }
0x3b: {  	v5 =	vadd.f32 v5, v7;
	v7 =	vld [tilespmem:s15+$0x5910];
	v2 =	vadd.f32 v4, v2  }
0x3c: {  	v4 =	vld [tilespmem:s16+$0x6D10]  }
0x3d: {  	v5 =	vadd.f32 v8, v5;
	v8 =	vld [tilespmem:s15+$0x5B90];
	v2 =	vadd.f32 v3, v2  }
0x3e: {  	v3 =	vld [tilespmem:s16+$0x6F90]  }
0x3f: {  	v10 =	vld [tilespmem:s15+$0x5E10];
	v5 =	vadd.f32 v9, v5;
	v2 =	vadd.f32 v6, v2  }
0x40: {  	v9 =	vld [tilespmem:s16+$0x7210]  }
0x41: {  	v6 =	vadd.f32 v7, v5;
	v5 =	vld [tilespmem:s15+$0x6090];
	v7 =	vadd.f32 v4, v2  }
0x42: {  	v4 =	vld [tilespmem:s16+$0x7490]  }
0x43: {  	v2 =	vld [tilespmem:s15+$0x6590];
	v8 =	vadd.f32 v8, v6;
	v11 =	vadd.f32 v3, v7  }
0x44: {  	s17 =	simm.s32 $0x20;
	v6 =	vld [tilespmem:s15+$0x6310]  }
0x45: {  	s18 =	simm.s32 $0xC0;
	v3 =	vld [tilespmem:s17+$0x4F10];
	v7 =	vadd.f32 v10, v8;
	v8 =	vadd.f32 v9, v11  }
.LBB2_6:
0x46: {  	p0 =	sne.s32 s18, $0x9C0;
	v9 =	vld [tilespmem:s17+$0x5190]  }
0x47: {  	v5 =	vadd.f32 v5, v7;
	v7 =	vld [tilespmem:s15+$0x6810];
	v4 =	vadd.f32 v4, v8  }
0x48: {  	v8 =	vld [tilespmem:s17+$0x5410]  }
0x49: {  	v5 =	vadd.f32 v6, v5;
	v6 =	vld [tilespmem:s15+$0x6A90];
	[tilespmem:s16+$0x7710] =	vst v4;
	s16 =	smov.u32 s15;
	s15 =	smov.u32 s17  }
0x4a: {  	v4 =	vld [tilespmem:s15+$0x5690]  }
0x4b: {  	v3 =	vadd.f32 v9, v3;
	v2 =	vadd.f32 v2, v5;
	v5 =	vld [tilespmem:s16+$0x6D10]  }
0x4c: {  	v9 =	vld [tilespmem:s15+$0x5910]  }
0x4d: {  	v3 =	vadd.f32 v8, v3;
	v2 =	vadd.f32 v7, v2;
	v7 =	vld [tilespmem:s16+$0x6F90]  }
0x4e: {  	v8 =	vld [tilespmem:s15+$0x5B90]  }
0x4f: {  	v3 =	vadd.f32 v4, v3;
	v2 =	vadd.f32 v6, v2;
	v10 =	vld [tilespmem:s16+$0x7210]  }
0x50: {  	v11 =	vld [tilespmem:s15+$0x5E10]  }
.Ltmp2:
0x51: {  	v3 =	vadd.f32 v9, v3;
	v6 =	vadd.f32 v5, v2;
	v4 =	vld [tilespmem:s16+$0x7490];
	(pc) =	sbr.rel @p0 .LBB2_6-.Ltmp2, $4  }
0x52: {  	v5 =	vld [tilespmem:s15+$0x6090]  }
0x53: {  	v8 =	vadd.f32 v8, v3;
	v2 =	vld [tilespmem:s15+$0x6590];
	v9 =	vadd.f32 v7, v6  }
0x54: {  	s17 =	sshra.s32 s18, $0x2;
	v6 =	vld [tilespmem:s15+$0x6310]  }
0x55: {  	s18 =	sadd.s32 $0x40, s18;
	v3 =	vld [tilespmem:s17+$0x4F10];
	v7 =	vadd.f32 v11, v8;
	v8 =	vadd.f32 v10, v9  }
0x56: {  	v9 =	vld [tilespmem:s17+$0x5190]  }
0x57: {  	v10 =	vld [tilespmem:s15+$0x6810];
	v4 =	vadd.f32 v4, v8  }
0x58: {  	v49 =	vld [tilespmem:s17+$0x5410]  }
0x59: {  	v11 =	vld [tilespmem:s15+$0x6A90];
	v5 =	vadd.f32 v5, v7;
	[tilespmem:s16+$0x7710] =	vst v4  }
0x5a: {  	v4 =	vld [tilespmem:s17+$0x5690]  }
0x5b: {  	v5 =	vadd.f32 v6, v5;
	v3 =	vadd.f32 v9, v3  }
0x5c: {  	v50 =	vld [tilespmem:s17+$0x5910]  }
0x5d: {  	v51 =	vld [tilespmem:s15+$0x6D10];
	v2 =	vadd.f32 v2, v5;
	v3 =	vadd.f32 v49, v3  }
0x5e: {  	v52 =	vld [tilespmem:s17+$0x5B90]  }
0x5f: {  	v53 =	vld [tilespmem:s15+$0x6F90];
	v2 =	vadd.f32 v10, v2;
	v3 =	vadd.f32 v4, v3  }
0x60: {  	v54 =	vld [tilespmem:s17+$0x5E10]  }
0x61: {  	v55 =	vld [tilespmem:s15+$0x7210];
	v2 =	vadd.f32 v11, v2;
	v3 =	vadd.f32 v50, v3  }
0x62: {  	v56 =	vld [tilespmem:s17+$0x6090]  }
0x63: {  	v57 =	vld [tilespmem:s15+$0x7490];
	v2 =	vadd.f32 v51, v2;
	v3 =	vadd.f32 v52, v3  }
0x64: {  	v58 =	vld [tilespmem:s17+$0x6310]  }
0x65: {  	v2 =	vadd.f32 v53, v2;
	v3 =	vadd.f32 v54, v3  }
0x66: {  	v59 =	vld [tilespmem:s17+$0x6590]  }
0x67: {  	v2 =	vadd.f32 v55, v2;
	v3 =	vadd.f32 v56, v3  }
0x68: {  	v60 =	vld [tilespmem:s17+$0x6810]  }
0x69: {  	v2 =	vadd.f32 v57, v2;
	v3 =	vadd.f32 v58, v3  }
0x6a: {  	v61 =	vld [tilespmem:s17+$0x6A90]  }
0x6b: {  	[tilespmem:s15+$0x7710] =	vst v2;
	v2 =	vadd.f32 v59, v3  }
0x6c: {  	v3 =	vld [tilespmem:s17+$0x6D10]  }
0x6d: {  	v2 =	vadd.f32 v60, v2  }
0x6e: {  	v62 =	vld [tilespmem:s17+$0x6F90]  }
0x6f: {  	v2 =	vadd.f32 v61, v2  }
0x70: {  	v63 =	vld [tilespmem:s17+$0x7210]  }
0x71: {  	v2 =	vadd.f32 v3, v2  }
0x72: {  	v3 =	vld [tilespmem:s17+$0x7490]  }
0x73: {  	v2 =	vadd.f32 v62, v2;
	_ =	sdelay $0x1  }
0x74: {  	v2 =	vadd.f32 v63, v2;
	_ =	sdelay $0x1  }
0x75: {  	s14 =	sadd.s32 $0x1, s14;
	v2 =	vadd.f32 v3, v2  }
0x76: {  	p0 =	sne.s32 s14, s7  }
.Ltmp3:
0x77: {  	[tilespmem:s17+$0x7710] =	vst v2;
	(pc) =	sbr.rel @p0 .LBB2_1-.Ltmp3, $4  }
0x78: {  	[hbm4b:s6+s2] =	stream.linear.scatter [tilespmem:s13], [sflag:$0x1], $0x280, $0x38;
	[tilespmem:$0xA190] =	vst v63  }
0x79: {  	_ =	swait.ge [sflag:s8], $0x280  }
0x7a: {  	[sflag:s8] =	ssyncset.done $0x0  }
0x7b: {  	[sflag:s8] =	ssyncadd.s32 $0xFFFFFD80  }
0x7c: {  	_ =	sfence.sel $0x180000  }
0x7d: {  	[bflag:$0x0] =	sbarrier.arrive $0xFFFF  }
0x7e: {  	p0 =	sne.s32 s0, $0x0;
	_ =	strace $0x90000047  }
0x7f: {  	s0 =	sadd.s32 @!p0 $0x100000, s1;
	[bflag:$0x2] =	sbarrier.arrive $0xFFFF  }
0x80: {  	[sflag:s0] =	ssyncadd.tile.s32 @!p0 $0x1;
	_ =	shalt  }
.Lfunc_end2:
_tile_overlayer_lowered:
.L_overlay_start_2:
0x81: {  	(tag) =	ssettag $0x2  }
0x82: {  	s0 =	rddreg [dreg:$0x0];
	s2 =	stileid.u32  }
0x83: {  	s1 =	rddreg [dreg:$0x1];
	p0 =	sne.s32 s2, $0x0  }
0x84: {  	s3 =	rddreg [dreg:$0x2];
	[bflag:$0x3] =	sbarrier.arrive $0xFFFF;
	s2 =	simm.s32 @!p0 $0x1C01  }
0x85: {  	[timem:s3], [sflag:s2] =	dma.local @!p0 [hbm:s0], s1  }
0x86: {  	s0 =	simm.s32 @!p0 $0x1  }
0x87: {  	_ =	swait.ge @!p0 [sflag:s0], s1  }
0x88: {  	s1 =	ssub.s32 @!p0 $0x0, s1;
	[sflag:s0] =	ssyncset.done @!p0 $0x0  }
0x89: {  	[sflag:s0] =	ssyncadd.s32 @!p0 s1  }
0x8a: {  	[bflag:$0x3] =	sbarrier.arrive $0xFFFF  }
0x8b: {  	_ =	shalt  }

</sc_bundles>
